<compile_context>
chip_gen: v7x
topology: tpu7x:2x2x1
jax: 0.10.2.dev20260603
libtpu: 0.0.44.dev20260713+nightly
codegen_flags: <defaults>
</compile_context>

<pallas_src>
import jax
import jax.numpy as jnp
from jax import lax
from jax.experimental import pallas as pl
from jax.experimental.pallas import tpu as pltpu
from jax.experimental.pallas import tpu_sc as plsc

D = 64
L = 3
C = 1024
NC = 2
NS = 16
NW = NC * NS
LANES = 16
K = 160


def _sc_body(ids_hbm, lk0_hbm, lk1_hbm, lk2_hbm, sid_hbm, ind_hbm, out_hbm,
             ids_v0, sidx_v0, tmp_v0, acc_v0, ids_v1, sidx_v1, tmp_v1, acc_v1,
             semc0, semi0, sems0, semc1, semi1, sems1):
    n_total = ids_hbm.shape[0]
    per_w = n_total // NW
    n_chunks = per_w // K
    wid = lax.axis_index("s") * NC + lax.axis_index("c")
    lks = (lk0_hbm, lk1_hbm, lk2_hbm)
    bufs = ((ids_v0, sidx_v0, tmp_v0, acc_v0, semc0, semi0, sems0),
            (ids_v1, sidx_v1, tmp_v1, acc_v1, semc1, semi1, sems1))

    def s1(ci, buf):
        ids_v, sidx_v, tmp_v, acc_v, semc, semi, sems = buf
        base = wid * per_w + ci * K
        pltpu.sync_copy(ids_hbm.at[pl.ds(base, K)], ids_v)
        pltpu.async_copy(ind_hbm.at[ids_v], acc_v, semi)
        for l in range(L):
            pltpu.async_copy(lks[l].at[ids_v], sidx_v.at[pl.ds(l * K, K)],
                             semc)

    def s2(buf):
        ids_v, sidx_v, tmp_v, acc_v, semc, semi, sems = buf
        for l in range(L):
            pltpu.make_async_copy(lks[l].at[ids_v],
                                  sidx_v.at[pl.ds(l * K, K)], semc).wait()
        for l in range(L):
            off = jnp.int32(l * C + 1)
            for c in range(K // LANES):
                s = pl.ds(l * K + c * LANES, LANES)
                sidx_v[s] = sidx_v[s] + off
        pltpu.async_copy(sid_hbm.at[sidx_v], tmp_v, sems)

    def s3(ci, buf):
        ids_v, sidx_v, tmp_v, acc_v, semc, semi, sems = buf
        base = wid * per_w + ci * K
        pltpu.make_async_copy(sid_hbm.at[sidx_v], tmp_v, sems).wait()
        pltpu.make_async_copy(ind_hbm.at[ids_v], acc_v, semi).wait()

        def add_body(i, carry2):
            for c in range(D // LANES):
                s = pl.ds(c * LANES, LANES)
                acc_v[i, s] = (acc_v[i, s] + tmp_v[i, s]
                               + tmp_v[K + i, s] + tmp_v[2 * K + i, s])
            return carry2

        lax.fori_loop(0, K, add_body, 0)
        pltpu.sync_copy(acc_v, out_hbm.at[pl.ds(base, K)])

    s1(0, bufs[0])
    s2(bufs[0])

    def pair_body(p, carry):
        for par in range(2):
            ci = 2 * p + par
            nxt_buf = bufs[1 - par]

            @pl.when(ci + 1 < n_chunks)
            def _():
                s1(ci + 1, nxt_buf)
                s2(nxt_buf)

            s3(ci, bufs[par])
        return carry

    lax.fori_loop(0, n_chunks // 2, pair_body, 0)


def _impl(ids, lk0, lk1, lk2, sid_table, ind_table):
    n = ids.shape[0]
    mesh = plsc.VectorSubcoreMesh(core_axis_name="c", subcore_axis_name="s")
    buf_set = [
        pltpu.VMEM((K,), jnp.int32),
        pltpu.VMEM((L * K,), jnp.int32),
        pltpu.VMEM((L * K, D), jnp.float32),
        pltpu.VMEM((K, D), jnp.float32),
    ]
    fn = pl.kernel(
        _sc_body,
        out_type=jax.ShapeDtypeStruct((n, D), jnp.float32),
        mesh=mesh,
        compiler_params=pltpu.CompilerParams(use_tc_tiling_on_sc=False),
        scratch_types=buf_set + buf_set + [pltpu.SemaphoreType.DMA] * 6,
    )
    return fn(ids, lk0, lk1, lk2, sid_table, ind_table)


def kernel(item_ids, lookup, codebook, sid_table, ind_table):
    b, t = item_ids.shape
    ids = item_ids.reshape(-1)
    lk0, lk1, lk2 = (lookup[:, l] for l in range(L))
    out = _impl(ids, lk0, lk1, lk2, sid_table, ind_table)
    return out.reshape(b, t, D)

# --- scband reference (transcript-rebuilt; emitter-appended) ---
"""Pipeline reference for scband-local-sidembedding-module-6992206758111 (READ-ONLY COPY).

The authoritative reference and input builder live on the scoring server;
editing this copy changes nothing except your own understanding.
"""

import jax, jax.numpy as jnp
import numpy as np

NUM_ITEMS = 1000000
NUM_LAYERS = 3
NUM_CODES = 1024
EMB_DIM = 64


def setup_inputs(seed: int = 0) -> dict:
    key = jax.random.key(seed)
    k1, k2, k3, k4, k5 = jax.random.split(key, 5)
    # forward arg (per input_specs): item_ids int in [0, num_items)
    item_ids = jax.random.randint(k1, (4096, 200), 0, NUM_ITEMS, dtype=jnp.int32)
    # registered buffer: lookup table mapping item id -> SID codes per layer
    # (num_items+1 rows so padding row 0 is also covered)
    lookup = jax.random.randint(k2, (NUM_ITEMS + 1, NUM_LAYERS), 0, NUM_CODES, dtype=jnp.int32)
    # registered buffer: RQ-VAE codebook [L, C, code_dim] (not consumed when items
    # are already in the lookup table, but part of the module state)
    codebook = jax.random.normal(k3, (NUM_LAYERS, NUM_CODES, EMB_DIM), dtype=jnp.float32)
    # learned params: SID embedding table. RQsum-indEmb forces size L*C (+1 padding row)
    sid_table = jax.random.normal(k4, (NUM_LAYERS * NUM_CODES + 1, EMB_DIM), dtype=jnp.float32) * 0.02
    sid_table = sid_table.at[0].set(0.0)  # padding_idx=0
    # learned params: individual item embedding table (num_items+1, padding_idx=0)
    ind_table = jax.random.normal(k5, (NUM_ITEMS + 1, EMB_DIM), dtype=jnp.float32) * 0.02
    ind_table = ind_table.at[0].set(0.0)
    return {"item_ids": item_ids, "lookup": lookup, "codebook": codebook,
            "sid_table": sid_table, "ind_table": ind_table}


def reference(item_ids, lookup, codebook, sid_table, ind_table):
    # get_item_embeddings for emb_method='RQsum-indEmb', emb_comb_method='sum',
    # scale_SID_emb=False.
    # 1) lookup SID codes: [B, T] -> [B, T, L]
    codes = jnp.take(lookup, item_ids, axis=0)
    # 2) per-layer offset into the (L*C+1)-row SID table (+1 skips padding row 0)
    offsets = jnp.arange(NUM_LAYERS, dtype=codes.dtype) * NUM_CODES
    sid_idx = codes + offsets[None, None, :] + 1  # [B, T, L]
    # 3) gather + sum-pool the L SID embeddings (RQsum)
    sid_embs = jnp.take(sid_table, sid_idx, axis=0)  # [B, T, L, D]
    sid_emb = jnp.sum(sid_embs, axis=-2)  # [B, T, D]
    # 4) individual item embedding
    ind_emb = jnp.take(ind_table, item_ids, axis=0)  # [B, T, D]
    # 5) combiner 'sum'
    return sid_emb + ind_emb

if __name__ == "__main__":
    import jax
    _d = setup_inputs()
    print(jax.jit(kernel)(*tuple(_d.values())))

</pallas_src>

<mosaic_0001>
#map = affine_map<(d0, d1) -> (0)>
#map1 = affine_map<(d0, d1) -> (0, 0)>
module attributes {stable_mosaic.version = 14 : i64} {
  func.func @_sc_body(%arg0: i32, %arg1: i32, %arg2: memref<819200xi32, #tpu.memory_space<hbm>>, %arg3: memref<1000001xi32, #tpu.memory_space<hbm>>, %arg4: memref<1000001xi32, #tpu.memory_space<hbm>>, %arg5: memref<1000001xi32, #tpu.memory_space<hbm>>, %arg6: memref<3073x64xf32, #tpu.memory_space<hbm>>, %arg7: memref<1000001x64xf32, #tpu.memory_space<hbm>>, %arg8: memref<819200x64xf32, #tpu.memory_space<hbm>>, %arg9: memref<160xi32, #tpu.memory_space<vmem>>, %arg10: memref<480xi32, #tpu.memory_space<vmem>>, %arg11: memref<480x64xf32, #tpu.memory_space<vmem>>, %arg12: memref<160x64xf32, #tpu.memory_space<vmem>>, %arg13: memref<160xi32, #tpu.memory_space<vmem>>, %arg14: memref<480xi32, #tpu.memory_space<vmem>>, %arg15: memref<480x64xf32, #tpu.memory_space<vmem>>, %arg16: memref<160x64xf32, #tpu.memory_space<vmem>>, %arg17: memref<!tpu.dma_semaphore, #tpu.memory_space<semaphore_mem>>, %arg18: memref<!tpu.dma_semaphore, #tpu.memory_space<semaphore_mem>>, %arg19: memref<!tpu.dma_semaphore, #tpu.memory_space<semaphore_mem>>, %arg20: memref<!tpu.dma_semaphore, #tpu.memory_space<semaphore_mem>>, %arg21: memref<!tpu.dma_semaphore, #tpu.memory_space<semaphore_mem>>, %arg22: memref<!tpu.dma_semaphore, #tpu.memory_space<semaphore_mem>>) attributes {dimension_semantics = [#tpu.dimension_semantics<core_parallel>, #tpu.dimension_semantics<subcore_parallel>], iteration_bounds = array<i64: 2, 16>, scalar_prefetch = 0 : i64, scratch_operands = 14 : i64, tpu.core_type = #tpu.core_type<sc_vector_subcore>, window_params = [{transform_indices = #map}, {transform_indices = #map}, {transform_indices = #map}, {transform_indices = #map}, {transform_indices = #map1}, {transform_indices = #map1}, {transform_indices = #map1}]} {
    %mul3A = arith.constant 2 : i32
    %mul3A_0 = arith.muli %arg1, %mul3A : i32
    %add3A = arith.addi %mul3A_0, %arg0 : i32
    %mul3A_1 = arith.constant 25600 : i32
    %mul3A_2 = arith.muli %add3A, %mul3A_1 : i32
    %add3A_3 = arith.constant 0 : i32
    %add3A_4 = arith.addi %mul3A_2, %add3A_3 : i32
    "tpu.region"() ({
      %run_scoped3A = tpu.sem_alloc : memref<!tpu.dma_semaphore, #tpu.memory_space<semaphore_mem>>
      %dma_start3A_336 = tpu.memref_slice %arg2[%add3A_4] : memref<819200xi32, #tpu.memory_space<hbm>> -> memref<160xi32, #tpu.memory_space<hbm>>
      %dma_start3A_337 = tpu.memref_slice %arg2[%add3A_4] : memref<819200xi32, #tpu.memory_space<hbm>> -> memref<160xi32, #tpu.memory_space<hbm>>
      tpu.enqueue_dma source(%dma_start3A_337 : memref<160xi32, #tpu.memory_space<hbm>>) target(%arg9 : memref<160xi32, #tpu.memory_space<vmem>>) target_semaphore(%run_scoped3A : memref<!tpu.dma_semaphore, #tpu.memory_space<semaphore_mem>>)
      %dma_wait3A_338 = tpu.memref_slice %arg2[%add3A_4] : memref<819200xi32, #tpu.memory_space<hbm>> -> memref<160xi32, #tpu.memory_space<hbm>>
      %dma_wait3A_339 = tpu.memref_slice %arg2[%add3A_4] : memref<819200xi32, #tpu.memory_space<hbm>> -> memref<160xi32, #tpu.memory_space<hbm>>
      tpu.wait_dma2 semaphore(%run_scoped3A : memref<!tpu.dma_semaphore, #tpu.memory_space<semaphore_mem>>) src(%dma_wait3A_339 : memref<160xi32, #tpu.memory_space<hbm>>) dst(%arg9 : memref<160xi32, #tpu.memory_space<vmem>>)
      tpu.yield
    }) : () -> ()
    %dma_start3A = arith.constant 0 : i32
    %dma_start3A_5 = arith.constant 0 : i32
    %dma_start3A_6 = tpu.memref_slice %arg7[%dma_start3A, %dma_start3A_5] : memref<1000001x64xf32, #tpu.memory_space<hbm>> -> memref<1000001x64xf32, #tpu.memory_space<hbm>>
    tpu.enqueue_indirect_dma source(%dma_start3A_6 : memref<1000001x64xf32, #tpu.memory_space<hbm>>) target(%arg12 : memref<160x64xf32, #tpu.memory_space<vmem>>) offsets(%arg9 : memref<160xi32, #tpu.memory_space<vmem>>) semaphore(%arg18 : memref<!tpu.dma_semaphore, #tpu.memory_space<semaphore_mem>>)
    %dma_start3A_7 = arith.constant 0 : i32
    %dma_start3A_8 = tpu.memref_slice %arg10[%dma_start3A_7] : memref<480xi32, #tpu.memory_space<vmem>> -> memref<160xi32, #tpu.memory_space<vmem>>
    %dma_start3A_9 = arith.constant 0 : i32
    %dma_start3A_10 = tpu.memref_slice %arg3[%dma_start3A_9] : memref<1000001xi32, #tpu.memory_space<hbm>> -> memref<1000001xi32, #tpu.memory_space<hbm>>
    tpu.enqueue_indirect_dma source(%dma_start3A_10 : memref<1000001xi32, #tpu.memory_space<hbm>>) target(%dma_start3A_8 : memref<160xi32, #tpu.memory_space<vmem>>) offsets(%arg9 : memref<160xi32, #tpu.memory_space<vmem>>) semaphore(%arg17 : memref<!tpu.dma_semaphore, #tpu.memory_space<semaphore_mem>>)
    %dma_start3A_11 = arith.constant 160 : i32
    %dma_start3A_12 = tpu.memref_slice %arg10[%dma_start3A_11] : memref<480xi32, #tpu.memory_space<vmem>> -> memref<160xi32, #tpu.memory_space<vmem>>
    %dma_start3A_13 = arith.constant 0 : i32
    %dma_start3A_14 = tpu.memref_slice %arg4[%dma_start3A_13] : memref<1000001xi32, #tpu.memory_space<hbm>> -> memref<1000001xi32, #tpu.memory_space<hbm>>
    tpu.enqueue_indirect_dma source(%dma_start3A_14 : memref<1000001xi32, #tpu.memory_space<hbm>>) target(%dma_start3A_12 : memref<160xi32, #tpu.memory_space<vmem>>) offsets(%arg9 : memref<160xi32, #tpu.memory_space<vmem>>) semaphore(%arg17 : memref<!tpu.dma_semaphore, #tpu.memory_space<semaphore_mem>>)
    %dma_start3A_15 = arith.constant 320 : i32
    %dma_start3A_16 = tpu.memref_slice %arg10[%dma_start3A_15] : memref<480xi32, #tpu.memory_space<vmem>> -> memref<160xi32, #tpu.memory_space<vmem>>
    %dma_start3A_17 = arith.constant 0 : i32
    %dma_start3A_18 = tpu.memref_slice %arg5[%dma_start3A_17] : memref<1000001xi32, #tpu.memory_space<hbm>> -> memref<1000001xi32, #tpu.memory_space<hbm>>
    tpu.enqueue_indirect_dma source(%dma_start3A_18 : memref<1000001xi32, #tpu.memory_space<hbm>>) target(%dma_start3A_16 : memref<160xi32, #tpu.memory_space<vmem>>) offsets(%arg9 : memref<160xi32, #tpu.memory_space<vmem>>) semaphore(%arg17 : memref<!tpu.dma_semaphore, #tpu.memory_space<semaphore_mem>>)
    %dma_wait3A = arith.constant 0 : i32
    %dma_wait3A_19 = tpu.memref_slice %arg10[%dma_wait3A] : memref<480xi32, #tpu.memory_space<vmem>> -> memref<160xi32, #tpu.memory_space<vmem>>
    %dma_wait3A_20 = arith.constant 0 : i32
    %dma_wait3A_21 = tpu.memref_slice %arg3[%dma_wait3A_20] : memref<1000001xi32, #tpu.memory_space<hbm>> -> memref<1000001xi32, #tpu.memory_space<hbm>>
    tpu.wait_indirect_dma semaphore(%arg17 : memref<!tpu.dma_semaphore, #tpu.memory_space<semaphore_mem>>) src(%dma_wait3A_21 : memref<1000001xi32, #tpu.memory_space<hbm>>) dst(%dma_wait3A_19 : memref<160xi32, #tpu.memory_space<vmem>>)
    %dma_wait3A_22 = arith.constant 160 : i32
    %dma_wait3A_23 = tpu.memref_slice %arg10[%dma_wait3A_22] : memref<480xi32, #tpu.memory_space<vmem>> -> memref<160xi32, #tpu.memory_space<vmem>>
    %dma_wait3A_24 = arith.constant 0 : i32
    %dma_wait3A_25 = tpu.memref_slice %arg4[%dma_wait3A_24] : memref<1000001xi32, #tpu.memory_space<hbm>> -> memref<1000001xi32, #tpu.memory_space<hbm>>
    tpu.wait_indirect_dma semaphore(%arg17 : memref<!tpu.dma_semaphore, #tpu.memory_space<semaphore_mem>>) src(%dma_wait3A_25 : memref<1000001xi32, #tpu.memory_space<hbm>>) dst(%dma_wait3A_23 : memref<160xi32, #tpu.memory_space<vmem>>)
    %dma_wait3A_26 = arith.constant 320 : i32
    %dma_wait3A_27 = tpu.memref_slice %arg10[%dma_wait3A_26] : memref<480xi32, #tpu.memory_space<vmem>> -> memref<160xi32, #tpu.memory_space<vmem>>
    %dma_wait3A_28 = arith.constant 0 : i32
    %dma_wait3A_29 = tpu.memref_slice %arg5[%dma_wait3A_28] : memref<1000001xi32, #tpu.memory_space<hbm>> -> memref<1000001xi32, #tpu.memory_space<hbm>>
    tpu.wait_indirect_dma semaphore(%arg17 : memref<!tpu.dma_semaphore, #tpu.memory_space<semaphore_mem>>) src(%dma_wait3A_29 : memref<1000001xi32, #tpu.memory_space<hbm>>) dst(%dma_wait3A_27 : memref<160xi32, #tpu.memory_space<vmem>>)
    %get3A = arith.constant 0 : index
    %get3A_30 = tpu.vector_load %arg10[%get3A] {strides = array<i32>} : memref<480xi32, #tpu.memory_space<vmem>>, vector<16xi32>,
    %get3A_31 = vector.shape_cast %get3A_30 : vector<16xi32> to vector<16xi32>
    %add3A_32 = arith.constant 1 : i32
    %add3A_33 = vector.broadcast %add3A_32 : i32 to vector<16xi32>
    %add3A_34 = arith.addi %get3A_31, %add3A_33 : vector<16xi32>
    %swap3A = arith.constant 0 : index
    %swap3A_35 = tpu.vector_load %arg10[%swap3A] {strides = array<i32>} : memref<480xi32, #tpu.memory_space<vmem>>, vector<16xi32>,
    %swap3A_36 = vector.shape_cast %swap3A_35 : vector<16xi32> to vector<16xi32>
    %swap3A_37 = vector.shape_cast %add3A_34 : vector<16xi32> to vector<16xi32>
    tpu.vector_store %arg10[%swap3A], %swap3A_37 {strides = array<i32>} : memref<480xi32, #tpu.memory_space<vmem>>, vector<16xi32>,
    %get3A_38 = arith.constant 16 : index
    %get3A_39 = tpu.vector_load %arg10[%get3A_38] {strides = array<i32>} : memref<480xi32, #tpu.memory_space<vmem>>, vector<16xi32>,
    %get3A_40 = vector.shape_cast %get3A_39 : vector<16xi32> to vector<16xi32>
    %add3A_41 = arith.constant 1 : i32
    %add3A_42 = vector.broadcast %add3A_41 : i32 to vector<16xi32>
    %add3A_43 = arith.addi %get3A_40, %add3A_42 : vector<16xi32>
    %swap3A_44 = arith.constant 16 : index
    %swap3A_45 = tpu.vector_load %arg10[%swap3A_44] {strides = array<i32>} : memref<480xi32, #tpu.memory_space<vmem>>, vector<16xi32>,
    %swap3A_46 = vector.shape_cast %swap3A_45 : vector<16xi32> to vector<16xi32>
    %swap3A_47 = vector.shape_cast %add3A_43 : vector<16xi32> to vector<16xi32>
    tpu.vector_store %arg10[%swap3A_44], %swap3A_47 {strides = array<i32>} : memref<480xi32, #tpu.memory_space<vmem>>, vector<16xi32>,
    %get3A_48 = arith.constant 32 : index
    %get3A_49 = tpu.vector_load %arg10[%get3A_48] {strides = array<i32>} : memref<480xi32, #tpu.memory_space<vmem>>, vector<16xi32>,
    %get3A_50 = vector.shape_cast %get3A_49 : vector<16xi32> to vector<16xi32>
    %add3A_51 = arith.constant 1 : i32
    %add3A_52 = vector.broadcast %add3A_51 : i32 to vector<16xi32>
    %add3A_53 = arith.addi %get3A_50, %add3A_52 : vector<16xi32>
    %swap3A_54 = arith.constant 32 : index
    %swap3A_55 = tpu.vector_load %arg10[%swap3A_54] {strides = array<i32>} : memref<480xi32, #tpu.memory_space<vmem>>, vector<16xi32>,
    %swap3A_56 = vector.shape_cast %swap3A_55 : vector<16xi32> to vector<16xi32>
    %swap3A_57 = vector.shape_cast %add3A_53 : vector<16xi32> to vector<16xi32>
    tpu.vector_store %arg10[%swap3A_54], %swap3A_57 {strides = array<i32>} : memref<480xi32, #tpu.memory_space<vmem>>, vector<16xi32>,
    %get3A_58 = arith.constant 48 : index
    %get3A_59 = tpu.vector_load %arg10[%get3A_58] {strides = array<i32>} : memref<480xi32, #tpu.memory_space<vmem>>, vector<16xi32>,
    %get3A_60 = vector.shape_cast %get3A_59 : vector<16xi32> to vector<16xi32>
    %add3A_61 = arith.constant 1 : i32
    %add3A_62 = vector.broadcast %add3A_61 : i32 to vector<16xi32>
    %add3A_63 = arith.addi %get3A_60, %add3A_62 : vector<16xi32>
    %swap3A_64 = arith.constant 48 : index
    %swap3A_65 = tpu.vector_load %arg10[%swap3A_64] {strides = array<i32>} : memref<480xi32, #tpu.memory_space<vmem>>, vector<16xi32>,
    %swap3A_66 = vector.shape_cast %swap3A_65 : vector<16xi32> to vector<16xi32>
    %swap3A_67 = vector.shape_cast %add3A_63 : vector<16xi32> to vector<16xi32>
    tpu.vector_store %arg10[%swap3A_64], %swap3A_67 {strides = array<i32>} : memref<480xi32, #tpu.memory_space<vmem>>, vector<16xi32>,
    %get3A_68 = arith.constant 64 : index
    %get3A_69 = tpu.vector_load %arg10[%get3A_68] {strides = array<i32>} : memref<480xi32, #tpu.memory_space<vmem>>, vector<16xi32>,
    %get3A_70 = vector.shape_cast %get3A_69 : vector<16xi32> to vector<16xi32>
    %add3A_71 = arith.constant 1 : i32
    %add3A_72 = vector.broadcast %add3A_71 : i32 to vector<16xi32>
    %add3A_73 = arith.addi %get3A_70, %add3A_72 : vector<16xi32>
    %swap3A_74 = arith.constant 64 : index
    %swap3A_75 = tpu.vector_load %arg10[%swap3A_74] {strides = array<i32>} : memref<480xi32, #tpu.memory_space<vmem>>, vector<16xi32>,
    %swap3A_76 = vector.shape_cast %swap3A_75 : vector<16xi32> to vector<16xi32>
    %swap3A_77 = vector.shape_cast %add3A_73 : vector<16xi32> to vector<16xi32>
    tpu.vector_store %arg10[%swap3A_74], %swap3A_77 {strides = array<i32>} : memref<480xi32, #tpu.memory_space<vmem>>, vector<16xi32>,
    %get3A_78 = arith.constant 80 : index
    %get3A_79 = tpu.vector_load %arg10[%get3A_78] {strides = array<i32>} : memref<480xi32, #tpu.memory_space<vmem>>, vector<16xi32>,
    %get3A_80 = vector.shape_cast %get3A_79 : vector<16xi32> to vector<16xi32>
    %add3A_81 = arith.constant 1 : i32
    %add3A_82 = vector.broadcast %add3A_81 : i32 to vector<16xi32>
    %add3A_83 = arith.addi %get3A_80, %add3A_82 : vector<16xi32>
    %swap3A_84 = arith.constant 80 : index
    %swap3A_85 = tpu.vector_load %arg10[%swap3A_84] {strides = array<i32>} : memref<480xi32, #tpu.memory_space<vmem>>, vector<16xi32>,
    %swap3A_86 = vector.shape_cast %swap3A_85 : vector<16xi32> to vector<16xi32>
    %swap3A_87 = vector.shape_cast %add3A_83 : vector<16xi32> to vector<16xi32>
    tpu.vector_store %arg10[%swap3A_84], %swap3A_87 {strides = array<i32>} : memref<480xi32, #tpu.memory_space<vmem>>, vector<16xi32>,
    %get3A_88 = arith.constant 96 : index
    %get3A_89 = tpu.vector_load %arg10[%get3A_88] {strides = array<i32>} : memref<480xi32, #tpu.memory_space<vmem>>, vector<16xi32>,
    %get3A_90 = vector.shape_cast %get3A_89 : vector<16xi32> to vector<16xi32>
    %add3A_91 = arith.constant 1 : i32
    %add3A_92 = vector.broadcast %add3A_91 : i32 to vector<16xi32>
    %add3A_93 = arith.addi %get3A_90, %add3A_92 : vector<16xi32>
    %swap3A_94 = arith.constant 96 : index
    %swap3A_95 = tpu.vector_load %arg10[%swap3A_94] {strides = array<i32>} : memref<480xi32, #tpu.memory_space<vmem>>, vector<16xi32>,
    %swap3A_96 = vector.shape_cast %swap3A_95 : vector<16xi32> to vector<16xi32>
    %swap3A_97 = vector.shape_cast %add3A_93 : vector<16xi32> to vector<16xi32>
    tpu.vector_store %arg10[%swap3A_94], %swap3A_97 {strides = array<i32>} : memref<480xi32, #tpu.memory_space<vmem>>, vector<16xi32>,
    %get3A_98 = arith.constant 112 : index
    %get3A_99 = tpu.vector_load %arg10[%get3A_98] {strides = array<i32>} : memref<480xi32, #tpu.memory_space<vmem>>, vector<16xi32>,
    %get3A_100 = vector.shape_cast %get3A_99 : vector<16xi32> to vector<16xi32>
    %add3A_101 = arith.constant 1 : i32
    %add3A_102 = vector.broadcast %add3A_101 : i32 to vector<16xi32>
    %add3A_103 = arith.addi %get3A_100, %add3A_102 : vector<16xi32>
    %swap3A_104 = arith.constant 112 : index
    %swap3A_105 = tpu.vector_load %arg10[%swap3A_104] {strides = array<i32>} : memref<480xi32, #tpu.memory_space<vmem>>, vector<16xi32>,
    %swap3A_106 = vector.shape_cast %swap3A_105 : vector<16xi32> to vector<16xi32>
    %swap3A_107 = vector.shape_cast %add3A_103 : vector<16xi32> to vector<16xi32>
    tpu.vector_store %arg10[%swap3A_104], %swap3A_107 {strides = array<i32>} : memref<480xi32, #tpu.memory_space<vmem>>, vector<16xi32>,
    %get3A_108 = arith.constant 128 : index
    %get3A_109 = tpu.vector_load %arg10[%get3A_108] {strides = array<i32>} : memref<480xi32, #tpu.memory_space<vmem>>, vector<16xi32>,
    %get3A_110 = vector.shape_cast %get3A_109 : vector<16xi32> to vector<16xi32>
    %add3A_111 = arith.constant 1 : i32
    %add3A_112 = vector.broadcast %add3A_111 : i32 to vector<16xi32>
    %add3A_113 = arith.addi %get3A_110, %add3A_112 : vector<16xi32>
    %swap3A_114 = arith.constant 128 : index
    %swap3A_115 = tpu.vector_load %arg10[%swap3A_114] {strides = array<i32>} : memref<480xi32, #tpu.memory_space<vmem>>, vector<16xi32>,
    %swap3A_116 = vector.shape_cast %swap3A_115 : vector<16xi32> to vector<16xi32>
    %swap3A_117 = vector.shape_cast %add3A_113 : vector<16xi32> to vector<16xi32>
    tpu.vector_store %arg10[%swap3A_114], %swap3A_117 {strides = array<i32>} : memref<480xi32, #tpu.memory_space<vmem>>, vector<16xi32>,
    %get3A_118 = arith.constant 144 : index
    %get3A_119 = tpu.vector_load %arg10[%get3A_118] {strides = array<i32>} : memref<480xi32, #tpu.memory_space<vmem>>, vector<16xi32>,
    %get3A_120 = vector.shape_cast %get3A_119 : vector<16xi32> to vector<16xi32>
    %add3A_121 = arith.constant 1 : i32
    %add3A_122 = vector.broadcast %add3A_121 : i32 to vector<16xi32>
    %add3A_123 = arith.addi %get3A_120, %add3A_122 : vector<16xi32>
    %swap3A_124 = arith.constant 144 : index
    %swap3A_125 = tpu.vector_load %arg10[%swap3A_124] {strides = array<i32>} : memref<480xi32, #tpu.memory_space<vmem>>, vector<16xi32>,
    %swap3A_126 = vector.shape_cast %swap3A_125 : vector<16xi32> to vector<16xi32>
    %swap3A_127 = vector.shape_cast %add3A_123 : vector<16xi32> to vector<16xi32>
    tpu.vector_store %arg10[%swap3A_124], %swap3A_127 {strides = array<i32>} : memref<480xi32, #tpu.memory_space<vmem>>, vector<16xi32>,
    %get3A_128 = arith.constant 160 : index
    %get3A_129 = tpu.vector_load %arg10[%get3A_128] {strides = array<i32>} : memref<480xi32, #tpu.memory_space<vmem>>, vector<16xi32>,
    %get3A_130 = vector.shape_cast %get3A_129 : vector<16xi32> to vector<16xi32>
    %add3A_131 = arith.constant 1025 : i32
    %add3A_132 = vector.broadcast %add3A_131 : i32 to vector<16xi32>
    %add3A_133 = arith.addi %get3A_130, %add3A_132 : vector<16xi32>
    %swap3A_134 = arith.constant 160 : index
    %swap3A_135 = tpu.vector_load %arg10[%swap3A_134] {strides = array<i32>} : memref<480xi32, #tpu.memory_space<vmem>>, vector<16xi32>,
    %swap3A_136 = vector.shape_cast %swap3A_135 : vector<16xi32> to vector<16xi32>
    %swap3A_137 = vector.shape_cast %add3A_133 : vector<16xi32> to vector<16xi32>
    tpu.vector_store %arg10[%swap3A_134], %swap3A_137 {strides = array<i32>} : memref<480xi32, #tpu.memory_space<vmem>>, vector<16xi32>,
    %get3A_138 = arith.constant 176 : index
    %get3A_139 = tpu.vector_load %arg10[%get3A_138] {strides = array<i32>} : memref<480xi32, #tpu.memory_space<vmem>>, vector<16xi32>,
    %get3A_140 = vector.shape_cast %get3A_139 : vector<16xi32> to vector<16xi32>
    %add3A_141 = arith.constant 1025 : i32
    %add3A_142 = vector.broadcast %add3A_141 : i32 to vector<16xi32>
    %add3A_143 = arith.addi %get3A_140, %add3A_142 : vector<16xi32>
    %swap3A_144 = arith.constant 176 : index
    %swap3A_145 = tpu.vector_load %arg10[%swap3A_144] {strides = array<i32>} : memref<480xi32, #tpu.memory_space<vmem>>, vector<16xi32>,
    %swap3A_146 = vector.shape_cast %swap3A_145 : vector<16xi32> to vector<16xi32>
    %swap3A_147 = vector.shape_cast %add3A_143 : vector<16xi32> to vector<16xi32>
    tpu.vector_store %arg10[%swap3A_144], %swap3A_147 {strides = array<i32>} : memref<480xi32, #tpu.memory_space<vmem>>, vector<16xi32>,
    %get3A_148 = arith.constant 192 : index
    %get3A_149 = tpu.vector_load %arg10[%get3A_148] {strides = array<i32>} : memref<480xi32, #tpu.memory_space<vmem>>, vector<16xi32>,
    %get3A_150 = vector.shape_cast %get3A_149 : vector<16xi32> to vector<16xi32>
    %add3A_151 = arith.constant 1025 : i32
    %add3A_152 = vector.broadcast %add3A_151 : i32 to vector<16xi32>
    %add3A_153 = arith.addi %get3A_150, %add3A_152 : vector<16xi32>
    %swap3A_154 = arith.constant 192 : index
    %swap3A_155 = tpu.vector_load %arg10[%swap3A_154] {strides = array<i32>} : memref<480xi32, #tpu.memory_space<vmem>>, vector<16xi32>,
    %swap3A_156 = vector.shape_cast %swap3A_155 : vector<16xi32> to vector<16xi32>
    %swap3A_157 = vector.shape_cast %add3A_153 : vector<16xi32> to vector<16xi32>
    tpu.vector_store %arg10[%swap3A_154], %swap3A_157 {strides = array<i32>} : memref<480xi32, #tpu.memory_space<vmem>>, vector<16xi32>,
    %get3A_158 = arith.constant 208 : index
    %get3A_159 = tpu.vector_load %arg10[%get3A_158] {strides = array<i32>} : memref<480xi32, #tpu.memory_space<vmem>>, vector<16xi32>,
    %get3A_160 = vector.shape_cast %get3A_159 : vector<16xi32> to vector<16xi32>
    %add3A_161 = arith.constant 1025 : i32
    %add3A_162 = vector.broadcast %add3A_161 : i32 to vector<16xi32>
    %add3A_163 = arith.addi %get3A_160, %add3A_162 : vector<16xi32>
    %swap3A_164 = arith.constant 208 : index
    %swap3A_165 = tpu.vector_load %arg10[%swap3A_164] {strides = array<i32>} : memref<480xi32, #tpu.memory_space<vmem>>, vector<16xi32>,
    %swap3A_166 = vector.shape_cast %swap3A_165 : vector<16xi32> to vector<16xi32>
    %swap3A_167 = vector.shape_cast %add3A_163 : vector<16xi32> to vector<16xi32>
    tpu.vector_store %arg10[%swap3A_164], %swap3A_167 {strides = array<i32>} : memref<480xi32, #tpu.memory_space<vmem>>, vector<16xi32>,
    %get3A_168 = arith.constant 224 : index
    %get3A_169 = tpu.vector_load %arg10[%get3A_168] {strides = array<i32>} : memref<480xi32, #tpu.memory_space<vmem>>, vector<16xi32>,
    %get3A_170 = vector.shape_cast %get3A_169 : vector<16xi32> to vector<16xi32>
    %add3A_171 = arith.constant 1025 : i32
    %add3A_172 = vector.broadcast %add3A_171 : i32 to vector<16xi32>
    %add3A_173 = arith.addi %get3A_170, %add3A_172 : vector<16xi32>
    %swap3A_174 = arith.constant 224 : index
    %swap3A_175 = tpu.vector_load %arg10[%swap3A_174] {strides = array<i32>} : memref<480xi32, #tpu.memory_space<vmem>>, vector<16xi32>,
    %swap3A_176 = vector.shape_cast %swap3A_175 : vector<16xi32> to vector<16xi32>
    %swap3A_177 = vector.shape_cast %add3A_173 : vector<16xi32> to vector<16xi32>
    tpu.vector_store %arg10[%swap3A_174], %swap3A_177 {strides = array<i32>} : memref<480xi32, #tpu.memory_space<vmem>>, vector<16xi32>,
    %get3A_178 = arith.constant 240 : index
    %get3A_179 = tpu.vector_load %arg10[%get3A_178] {strides = array<i32>} : memref<480xi32, #tpu.memory_space<vmem>>, vector<16xi32>,
    %get3A_180 = vector.shape_cast %get3A_179 : vector<16xi32> to vector<16xi32>
    %add3A_181 = arith.constant 1025 : i32
    %add3A_182 = vector.broadcast %add3A_181 : i32 to vector<16xi32>
    %add3A_183 = arith.addi %get3A_180, %add3A_182 : vector<16xi32>
    %swap3A_184 = arith.constant 240 : index
    %swap3A_185 = tpu.vector_load %arg10[%swap3A_184] {strides = array<i32>} : memref<480xi32, #tpu.memory_space<vmem>>, vector<16xi32>,
    %swap3A_186 = vector.shape_cast %swap3A_185 : vector<16xi32> to vector<16xi32>
    %swap3A_187 = vector.shape_cast %add3A_183 : vector<16xi32> to vector<16xi32>
    tpu.vector_store %arg10[%swap3A_184], %swap3A_187 {strides = array<i32>} : memref<480xi32, #tpu.memory_space<vmem>>, vector<16xi32>,
    %get3A_188 = arith.constant 256 : index
    %get3A_189 = tpu.vector_load %arg10[%get3A_188] {strides = array<i32>} : memref<480xi32, #tpu.memory_space<vmem>>, vector<16xi32>,
    %get3A_190 = vector.shape_cast %get3A_189 : vector<16xi32> to vector<16xi32>
    %add3A_191 = arith.constant 1025 : i32
    %add3A_192 = vector.broadcast %add3A_191 : i32 to vector<16xi32>
    %add3A_193 = arith.addi %get3A_190, %add3A_192 : vector<16xi32>
    %swap3A_194 = arith.constant 256 : index
    %swap3A_195 = tpu.vector_load %arg10[%swap3A_194] {strides = array<i32>} : memref<480xi32, #tpu.memory_space<vmem>>, vector<16xi32>,
    %swap3A_196 = vector.shape_cast %swap3A_195 : vector<16xi32> to vector<16xi32>
    %swap3A_197 = vector.shape_cast %add3A_193 : vector<16xi32> to vector<16xi32>
    tpu.vector_store %arg10[%swap3A_194], %swap3A_197 {strides = array<i32>} : memref<480xi32, #tpu.memory_space<vmem>>, vector<16xi32>,
    %get3A_198 = arith.constant 272 : index
    %get3A_199 = tpu.vector_load %arg10[%get3A_198] {strides = array<i32>} : memref<480xi32, #tpu.memory_space<vmem>>, vector<16xi32>,
    %get3A_200 = vector.shape_cast %get3A_199 : vector<16xi32> to vector<16xi32>
    %add3A_201 = arith.constant 1025 : i32
    %add3A_202 = vector.broadcast %add3A_201 : i32 to vector<16xi32>
    %add3A_203 = arith.addi %get3A_200, %add3A_202 : vector<16xi32>
    %swap3A_204 = arith.constant 272 : index
    %swap3A_205 = tpu.vector_load %arg10[%swap3A_204] {strides = array<i32>} : memref<480xi32, #tpu.memory_space<vmem>>, vector<16xi32>,
    %swap3A_206 = vector.shape_cast %swap3A_205 : vector<16xi32> to vector<16xi32>
    %swap3A_207 = vector.shape_cast %add3A_203 : vector<16xi32> to vector<16xi32>
    tpu.vector_store %arg10[%swap3A_204], %swap3A_207 {strides = array<i32>} : memref<480xi32, #tpu.memory_space<vmem>>, vector<16xi32>,
    %get3A_208 = arith.constant 288 : index
    %get3A_209 = tpu.vector_load %arg10[%get3A_208] {strides = array<i32>} : memref<480xi32, #tpu.memory_space<vmem>>, vector<16xi32>,
    %get3A_210 = vector.shape_cast %get3A_209 : vector<16xi32> to vector<16xi32>
    %add3A_211 = arith.constant 1025 : i32
    %add3A_212 = vector.broadcast %add3A_211 : i32 to vector<16xi32>
    %add3A_213 = arith.addi %get3A_210, %add3A_212 : vector<16xi32>
    %swap3A_214 = arith.constant 288 : index
    %swap3A_215 = tpu.vector_load %arg10[%swap3A_214] {strides = array<i32>} : memref<480xi32, #tpu.memory_space<vmem>>, vector<16xi32>,
    %swap3A_216 = vector.shape_cast %swap3A_215 : vector<16xi32> to vector<16xi32>
    %swap3A_217 = vector.shape_cast %add3A_213 : vector<16xi32> to vector<16xi32>
    tpu.vector_store %arg10[%swap3A_214], %swap3A_217 {strides = array<i32>} : memref<480xi32, #tpu.memory_space<vmem>>, vector<16xi32>,
    %get3A_218 = arith.constant 304 : index
    %get3A_219 = tpu.vector_load %arg10[%get3A_218] {strides = array<i32>} : memref<480xi32, #tpu.memory_space<vmem>>, vector<16xi32>,
    %get3A_220 = vector.shape_cast %get3A_219 : vector<16xi32> to vector<16xi32>
    %add3A_221 = arith.constant 1025 : i32
    %add3A_222 = vector.broadcast %add3A_221 : i32 to vector<16xi32>
    %add3A_223 = arith.addi %get3A_220, %add3A_222 : vector<16xi32>
    %swap3A_224 = arith.constant 304 : index
    %swap3A_225 = tpu.vector_load %arg10[%swap3A_224] {strides = array<i32>} : memref<480xi32, #tpu.memory_space<vmem>>, vector<16xi32>,
    %swap3A_226 = vector.shape_cast %swap3A_225 : vector<16xi32> to vector<16xi32>
    %swap3A_227 = vector.shape_cast %add3A_223 : vector<16xi32> to vector<16xi32>
    tpu.vector_store %arg10[%swap3A_224], %swap3A_227 {strides = array<i32>} : memref<480xi32, #tpu.memory_space<vmem>>, vector<16xi32>,
    %get3A_228 = arith.constant 320 : index
    %get3A_229 = tpu.vector_load %arg10[%get3A_228] {strides = array<i32>} : memref<480xi32, #tpu.memory_space<vmem>>, vector<16xi32>,
    %get3A_230 = vector.shape_cast %get3A_229 : vector<16xi32> to vector<16xi32>
    %add3A_231 = arith.constant 2049 : i32
    %add3A_232 = vector.broadcast %add3A_231 : i32 to vector<16xi32>
    %add3A_233 = arith.addi %get3A_230, %add3A_232 : vector<16xi32>
    %swap3A_234 = arith.constant 320 : index
    %swap3A_235 = tpu.vector_load %arg10[%swap3A_234] {strides = array<i32>} : memref<480xi32, #tpu.memory_space<vmem>>, vector<16xi32>,
    %swap3A_236 = vector.shape_cast %swap3A_235 : vector<16xi32> to vector<16xi32>
    %swap3A_237 = vector.shape_cast %add3A_233 : vector<16xi32> to vector<16xi32>
    tpu.vector_store %arg10[%swap3A_234], %swap3A_237 {strides = array<i32>} : memref<480xi32, #tpu.memory_space<vmem>>, vector<16xi32>,
    %get3A_238 = arith.constant 336 : index
    %get3A_239 = tpu.vector_load %arg10[%get3A_238] {strides = array<i32>} : memref<480xi32, #tpu.memory_space<vmem>>, vector<16xi32>,
    %get3A_240 = vector.shape_cast %get3A_239 : vector<16xi32> to vector<16xi32>
    %add3A_241 = arith.constant 2049 : i32
    %add3A_242 = vector.broadcast %add3A_241 : i32 to vector<16xi32>
    %add3A_243 = arith.addi %get3A_240, %add3A_242 : vector<16xi32>
    %swap3A_244 = arith.constant 336 : index
    %swap3A_245 = tpu.vector_load %arg10[%swap3A_244] {strides = array<i32>} : memref<480xi32, #tpu.memory_space<vmem>>, vector<16xi32>,
    %swap3A_246 = vector.shape_cast %swap3A_245 : vector<16xi32> to vector<16xi32>
    %swap3A_247 = vector.shape_cast %add3A_243 : vector<16xi32> to vector<16xi32>
    tpu.vector_store %arg10[%swap3A_244], %swap3A_247 {strides = array<i32>} : memref<480xi32, #tpu.memory_space<vmem>>, vector<16xi32>,
    %get3A_248 = arith.constant 352 : index
    %get3A_249 = tpu.vector_load %arg10[%get3A_248] {strides = array<i32>} : memref<480xi32, #tpu.memory_space<vmem>>, vector<16xi32>,
    %get3A_250 = vector.shape_cast %get3A_249 : vector<16xi32> to vector<16xi32>
    %add3A_251 = arith.constant 2049 : i32
    %add3A_252 = vector.broadcast %add3A_251 : i32 to vector<16xi32>
    %add3A_253 = arith.addi %get3A_250, %add3A_252 : vector<16xi32>
    %swap3A_254 = arith.constant 352 : index
    %swap3A_255 = tpu.vector_load %arg10[%swap3A_254] {strides = array<i32>} : memref<480xi32, #tpu.memory_space<vmem>>, vector<16xi32>,
    %swap3A_256 = vector.shape_cast %swap3A_255 : vector<16xi32> to vector<16xi32>
    %swap3A_257 = vector.shape_cast %add3A_253 : vector<16xi32> to vector<16xi32>
    tpu.vector_store %arg10[%swap3A_254], %swap3A_257 {strides = array<i32>} : memref<480xi32, #tpu.memory_space<vmem>>, vector<16xi32>,
    %get3A_258 = arith.constant 368 : index
    %get3A_259 = tpu.vector_load %arg10[%get3A_258] {strides = array<i32>} : memref<480xi32, #tpu.memory_space<vmem>>, vector<16xi32>,
    %get3A_260 = vector.shape_cast %get3A_259 : vector<16xi32> to vector<16xi32>
    %add3A_261 = arith.constant 2049 : i32
    %add3A_262 = vector.broadcast %add3A_261 : i32 to vector<16xi32>
    %add3A_263 = arith.addi %get3A_260, %add3A_262 : vector<16xi32>
    %swap3A_264 = arith.constant 368 : index
    %swap3A_265 = tpu.vector_load %arg10[%swap3A_264] {strides = array<i32>} : memref<480xi32, #tpu.memory_space<vmem>>, vector<16xi32>,
    %swap3A_266 = vector.shape_cast %swap3A_265 : vector<16xi32> to vector<16xi32>
    %swap3A_267 = vector.shape_cast %add3A_263 : vector<16xi32> to vector<16xi32>
    tpu.vector_store %arg10[%swap3A_264], %swap3A_267 {strides = array<i32>} : memref<480xi32, #tpu.memory_space<vmem>>, vector<16xi32>,
    %get3A_268 = arith.constant 384 : index
    %get3A_269 = tpu.vector_load %arg10[%get3A_268] {strides = array<i32>} : memref<480xi32, #tpu.memory_space<vmem>>, vector<16xi32>,
    %get3A_270 = vector.shape_cast %get3A_269 : vector<16xi32> to vector<16xi32>
    %add3A_271 = arith.constant 2049 : i32
    %add3A_272 = vector.broadcast %add3A_271 : i32 to vector<16xi32>
    %add3A_273 = arith.addi %get3A_270, %add3A_272 : vector<16xi32>
    %swap3A_274 = arith.constant 384 : index
    %swap3A_275 = tpu.vector_load %arg10[%swap3A_274] {strides = array<i32>} : memref<480xi32, #tpu.memory_space<vmem>>, vector<16xi32>,
    %swap3A_276 = vector.shape_cast %swap3A_275 : vector<16xi32> to vector<16xi32>
    %swap3A_277 = vector.shape_cast %add3A_273 : vector<16xi32> to vector<16xi32>
    tpu.vector_store %arg10[%swap3A_274], %swap3A_277 {strides = array<i32>} : memref<480xi32, #tpu.memory_space<vmem>>, vector<16xi32>,
    %get3A_278 = arith.constant 400 : index
    %get3A_279 = tpu.vector_load %arg10[%get3A_278] {strides = array<i32>} : memref<480xi32, #tpu.memory_space<vmem>>, vector<16xi32>,
    %get3A_280 = vector.shape_cast %get3A_279 : vector<16xi32> to vector<16xi32>
    %add3A_281 = arith.constant 2049 : i32
    %add3A_282 = vector.broadcast %add3A_281 : i32 to vector<16xi32>
    %add3A_283 = arith.addi %get3A_280, %add3A_282 : vector<16xi32>
    %swap3A_284 = arith.constant 400 : index
    %swap3A_285 = tpu.vector_load %arg10[%swap3A_284] {strides = array<i32>} : memref<480xi32, #tpu.memory_space<vmem>>, vector<16xi32>,
    %swap3A_286 = vector.shape_cast %swap3A_285 : vector<16xi32> to vector<16xi32>
    %swap3A_287 = vector.shape_cast %add3A_283 : vector<16xi32> to vector<16xi32>
    tpu.vector_store %arg10[%swap3A_284], %swap3A_287 {strides = array<i32>} : memref<480xi32, #tpu.memory_space<vmem>>, vector<16xi32>,
    %get3A_288 = arith.constant 416 : index
    %get3A_289 = tpu.vector_load %arg10[%get3A_288] {strides = array<i32>} : memref<480xi32, #tpu.memory_space<vmem>>, vector<16xi32>,
    %get3A_290 = vector.shape_cast %get3A_289 : vector<16xi32> to vector<16xi32>
    %add3A_291 = arith.constant 2049 : i32
    %add3A_292 = vector.broadcast %add3A_291 : i32 to vector<16xi32>
    %add3A_293 = arith.addi %get3A_290, %add3A_292 : vector<16xi32>
    %swap3A_294 = arith.constant 416 : index
    %swap3A_295 = tpu.vector_load %arg10[%swap3A_294] {strides = array<i32>} : memref<480xi32, #tpu.memory_space<vmem>>, vector<16xi32>,
    %swap3A_296 = vector.shape_cast %swap3A_295 : vector<16xi32> to vector<16xi32>
    %swap3A_297 = vector.shape_cast %add3A_293 : vector<16xi32> to vector<16xi32>
    tpu.vector_store %arg10[%swap3A_294], %swap3A_297 {strides = array<i32>} : memref<480xi32, #tpu.memory_space<vmem>>, vector<16xi32>,
    %get3A_298 = arith.constant 432 : index
    %get3A_299 = tpu.vector_load %arg10[%get3A_298] {strides = array<i32>} : memref<480xi32, #tpu.memory_space<vmem>>, vector<16xi32>,
    %get3A_300 = vector.shape_cast %get3A_299 : vector<16xi32> to vector<16xi32>
    %add3A_301 = arith.constant 2049 : i32
    %add3A_302 = vector.broadcast %add3A_301 : i32 to vector<16xi32>
    %add3A_303 = arith.addi %get3A_300, %add3A_302 : vector<16xi32>
    %swap3A_304 = arith.constant 432 : index
    %swap3A_305 = tpu.vector_load %arg10[%swap3A_304] {strides = array<i32>} : memref<480xi32, #tpu.memory_space<vmem>>, vector<16xi32>,
    %swap3A_306 = vector.shape_cast %swap3A_305 : vector<16xi32> to vector<16xi32>
    %swap3A_307 = vector.shape_cast %add3A_303 : vector<16xi32> to vector<16xi32>
    tpu.vector_store %arg10[%swap3A_304], %swap3A_307 {strides = array<i32>} : memref<480xi32, #tpu.memory_space<vmem>>, vector<16xi32>,
    %get3A_308 = arith.constant 448 : index
    %get3A_309 = tpu.vector_load %arg10[%get3A_308] {strides = array<i32>} : memref<480xi32, #tpu.memory_space<vmem>>, vector<16xi32>,
    %get3A_310 = vector.shape_cast %get3A_309 : vector<16xi32> to vector<16xi32>
    %add3A_311 = arith.constant 2049 : i32
    %add3A_312 = vector.broadcast %add3A_311 : i32 to vector<16xi32>
    %add3A_313 = arith.addi %get3A_310, %add3A_312 : vector<16xi32>
    %swap3A_314 = arith.constant 448 : index
    %swap3A_315 = tpu.vector_load %arg10[%swap3A_314] {strides = array<i32>} : memref<480xi32, #tpu.memory_space<vmem>>, vector<16xi32>,
    %swap3A_316 = vector.shape_cast %swap3A_315 : vector<16xi32> to vector<16xi32>
    %swap3A_317 = vector.shape_cast %add3A_313 : vector<16xi32> to vector<16xi32>
    tpu.vector_store %arg10[%swap3A_314], %swap3A_317 {strides = array<i32>} : memref<480xi32, #tpu.memory_space<vmem>>, vector<16xi32>,
    %get3A_318 = arith.constant 464 : index
    %get3A_319 = tpu.vector_load %arg10[%get3A_318] {strides = array<i32>} : memref<480xi32, #tpu.memory_space<vmem>>, vector<16xi32>,
    %get3A_320 = vector.shape_cast %get3A_319 : vector<16xi32> to vector<16xi32>
    %add3A_321 = arith.constant 2049 : i32
    %add3A_322 = vector.broadcast %add3A_321 : i32 to vector<16xi32>
    %add3A_323 = arith.addi %get3A_320, %add3A_322 : vector<16xi32>
    %swap3A_324 = arith.constant 464 : index
    %swap3A_325 = tpu.vector_load %arg10[%swap3A_324] {strides = array<i32>} : memref<480xi32, #tpu.memory_space<vmem>>, vector<16xi32>,
    %swap3A_326 = vector.shape_cast %swap3A_325 : vector<16xi32> to vector<16xi32>
    %swap3A_327 = vector.shape_cast %add3A_323 : vector<16xi32> to vector<16xi32>
    tpu.vector_store %arg10[%swap3A_324], %swap3A_327 {strides = array<i32>} : memref<480xi32, #tpu.memory_space<vmem>>, vector<16xi32>,
    %dma_start3A_328 = arith.constant 0 : i32
    %dma_start3A_329 = arith.constant 0 : i32
    %dma_start3A_330 = tpu.memref_slice %arg6[%dma_start3A_328, %dma_start3A_329] : memref<3073x64xf32, #tpu.memory_space<hbm>> -> memref<3073x64xf32, #tpu.memory_space<hbm>>
    tpu.enqueue_indirect_dma source(%dma_start3A_330 : memref<3073x64xf32, #tpu.memory_space<hbm>>) target(%arg11 : memref<480x64xf32, #tpu.memory_space<vmem>>) offsets(%arg10 : memref<480xi32, #tpu.memory_space<vmem>>) semaphore(%arg19 : memref<!tpu.dma_semaphore, #tpu.memory_space<semaphore_mem>>)
    %scan3A = arith.constant 0 : i32
    %scan3A_331 = arith.constant 0 : i32
    %scan3A_332 = arith.constant 80 : i32
    %scan3A_333 = arith.addi %scan3A_331, %scan3A_332 : i32
    %scan3A_334 = arith.constant 1 : i32
    scf.for %scan3A_336 = %scan3A_331 to %scan3A_333 step %scan3A_334  : i32 {
      %mul3A_337 = arith.constant 2 : i32
      %mul3A_338 = arith.muli %mul3A_337, %scan3A_336 : i32
      %add3A_339 = arith.constant 0 : i32
      %add3A_340 = arith.addi %mul3A_338, %add3A_339 : i32
      %add3A_341 = arith.constant 1 : i32
      %add3A_342 = arith.addi %add3A_340, %add3A_341 : i32
      %lt3A = arith.constant 160 : i32
      %lt3A_343 = arith.cmpi slt, %add3A_342, %lt3A : i32
      %convert_element_type3A = arith.extui %lt3A_343 : i1 to i32
      %cond3A = arith.constant 0 : i32
      %cond3A_344 = arith.cmpi ne, %convert_element_type3A, %cond3A : i32
      scf.if %cond3A_344 {
        %add3A_390 = arith.constant 1 : i32
        %add3A_391 = arith.addi %add3A_340, %add3A_390 : i32
        %mul3A_392 = arith.constant 25600 : i32
        %mul3A_393 = arith.muli %add3A, %mul3A_392 : i32
        %mul3A_394 = arith.constant 160 : i32
        %mul3A_395 = arith.muli %add3A_391, %mul3A_394 : i32
        %add3A_396 = arith.addi %mul3A_393, %mul3A_395 : i32
        "tpu.region"() ({
          %run_scoped3A = tpu.sem_alloc : memref<!tpu.dma_semaphore, #tpu.memory_space<semaphore_mem>>
          %dma_start3A_727 = tpu.memref_slice %arg2[%add3A_396] : memref<819200xi32, #tpu.memory_space<hbm>> -> memref<160xi32, #tpu.memory_space<hbm>>
          %dma_start3A_728 = tpu.memref_slice %arg2[%add3A_396] : memref<819200xi32, #tpu.memory_space<hbm>> -> memref<160xi32, #tpu.memory_space<hbm>>
          tpu.enqueue_dma source(%dma_start3A_728 : memref<160xi32, #tpu.memory_space<hbm>>) target(%arg13 : memref<160xi32, #tpu.memory_space<vmem>>) target_semaphore(%run_scoped3A : memref<!tpu.dma_semaphore, #tpu.memory_space<semaphore_mem>>)
          %dma_wait3A_729 = tpu.memref_slice %arg2[%add3A_396] : memref<819200xi32, #tpu.memory_space<hbm>> -> memref<160xi32, #tpu.memory_space<hbm>>
          %dma_wait3A_730 = tpu.memref_slice %arg2[%add3A_396] : memref<819200xi32, #tpu.memory_space<hbm>> -> memref<160xi32, #tpu.memory_space<hbm>>
          tpu.wait_dma2 semaphore(%run_scoped3A : memref<!tpu.dma_semaphore, #tpu.memory_space<semaphore_mem>>) src(%dma_wait3A_730 : memref<160xi32, #tpu.memory_space<hbm>>) dst(%arg13 : memref<160xi32, #tpu.memory_space<vmem>>)
          tpu.yield
        }) : () -> ()
        %dma_start3A_397 = arith.constant 0 : i32
        %dma_start3A_398 = arith.constant 0 : i32
        %dma_start3A_399 = tpu.memref_slice %arg7[%dma_start3A_397, %dma_start3A_398] : memref<1000001x64xf32, #tpu.memory_space<hbm>> -> memref<1000001x64xf32, #tpu.memory_space<hbm>>
        tpu.enqueue_indirect_dma source(%dma_start3A_399 : memref<1000001x64xf32, #tpu.memory_space<hbm>>) target(%arg16 : memref<160x64xf32, #tpu.memory_space<vmem>>) offsets(%arg13 : memref<160xi32, #tpu.memory_space<vmem>>) semaphore(%arg21 : memref<!tpu.dma_semaphore, #tpu.memory_space<semaphore_mem>>)
        %dma_start3A_400 = arith.constant 0 : i32
        %dma_start3A_401 = tpu.memref_slice %arg14[%dma_start3A_400] : memref<480xi32, #tpu.memory_space<vmem>> -> memref<160xi32, #tpu.memory_space<vmem>>
        %dma_start3A_402 = arith.constant 0 : i32
        %dma_start3A_403 = tpu.memref_slice %arg3[%dma_start3A_402] : memref<1000001xi32, #tpu.memory_space<hbm>> -> memref<1000001xi32, #tpu.memory_space<hbm>>
        tpu.enqueue_indirect_dma source(%dma_start3A_403 : memref<1000001xi32, #tpu.memory_space<hbm>>) target(%dma_start3A_401 : memref<160xi32, #tpu.memory_space<vmem>>) offsets(%arg13 : memref<160xi32, #tpu.memory_space<vmem>>) semaphore(%arg20 : memref<!tpu.dma_semaphore, #tpu.memory_space<semaphore_mem>>)
        %dma_start3A_404 = arith.constant 160 : i32
        %dma_start3A_405 = tpu.memref_slice %arg14[%dma_start3A_404] : memref<480xi32, #tpu.memory_space<vmem>> -> memref<160xi32, #tpu.memory_space<vmem>>
        %dma_start3A_406 = arith.constant 0 : i32
        %dma_start3A_407 = tpu.memref_slice %arg4[%dma_start3A_406] : memref<1000001xi32, #tpu.memory_space<hbm>> -> memref<1000001xi32, #tpu.memory_space<hbm>>
        tpu.enqueue_indirect_dma source(%dma_start3A_407 : memref<1000001xi32, #tpu.memory_space<hbm>>) target(%dma_start3A_405 : memref<160xi32, #tpu.memory_space<vmem>>) offsets(%arg13 : memref<160xi32, #tpu.memory_space<vmem>>) semaphore(%arg20 : memref<!tpu.dma_semaphore, #tpu.memory_space<semaphore_mem>>)
        %dma_start3A_408 = arith.constant 320 : i32
        %dma_start3A_409 = tpu.memref_slice %arg14[%dma_start3A_408] : memref<480xi32, #tpu.memory_space<vmem>> -> memref<160xi32, #tpu.memory_space<vmem>>
        %dma_start3A_410 = arith.constant 0 : i32
        %dma_start3A_411 = tpu.memref_slice %arg5[%dma_start3A_410] : memref<1000001xi32, #tpu.memory_space<hbm>> -> memref<1000001xi32, #tpu.memory_space<hbm>>
        tpu.enqueue_indirect_dma source(%dma_start3A_411 : memref<1000001xi32, #tpu.memory_space<hbm>>) target(%dma_start3A_409 : memref<160xi32, #tpu.memory_space<vmem>>) offsets(%arg13 : memref<160xi32, #tpu.memory_space<vmem>>) semaphore(%arg20 : memref<!tpu.dma_semaphore, #tpu.memory_space<semaphore_mem>>)
        %dma_wait3A_412 = arith.constant 0 : i32
        %dma_wait3A_413 = tpu.memref_slice %arg14[%dma_wait3A_412] : memref<480xi32, #tpu.memory_space<vmem>> -> memref<160xi32, #tpu.memory_space<vmem>>
        %dma_wait3A_414 = arith.constant 0 : i32
        %dma_wait3A_415 = tpu.memref_slice %arg3[%dma_wait3A_414] : memref<1000001xi32, #tpu.memory_space<hbm>> -> memref<1000001xi32, #tpu.memory_space<hbm>>
        tpu.wait_indirect_dma semaphore(%arg20 : memref<!tpu.dma_semaphore, #tpu.memory_space<semaphore_mem>>) src(%dma_wait3A_415 : memref<1000001xi32, #tpu.memory_space<hbm>>) dst(%dma_wait3A_413 : memref<160xi32, #tpu.memory_space<vmem>>)
        %dma_wait3A_416 = arith.constant 160 : i32
        %dma_wait3A_417 = tpu.memref_slice %arg14[%dma_wait3A_416] : memref<480xi32, #tpu.memory_space<vmem>> -> memref<160xi32, #tpu.memory_space<vmem>>
        %dma_wait3A_418 = arith.constant 0 : i32
        %dma_wait3A_419 = tpu.memref_slice %arg4[%dma_wait3A_418] : memref<1000001xi32, #tpu.memory_space<hbm>> -> memref<1000001xi32, #tpu.memory_space<hbm>>
        tpu.wait_indirect_dma semaphore(%arg20 : memref<!tpu.dma_semaphore, #tpu.memory_space<semaphore_mem>>) src(%dma_wait3A_419 : memref<1000001xi32, #tpu.memory_space<hbm>>) dst(%dma_wait3A_417 : memref<160xi32, #tpu.memory_space<vmem>>)
        %dma_wait3A_420 = arith.constant 320 : i32
        %dma_wait3A_421 = tpu.memref_slice %arg14[%dma_wait3A_420] : memref<480xi32, #tpu.memory_space<vmem>> -> memref<160xi32, #tpu.memory_space<vmem>>
        %dma_wait3A_422 = arith.constant 0 : i32
        %dma_wait3A_423 = tpu.memref_slice %arg5[%dma_wait3A_422] : memref<1000001xi32, #tpu.memory_space<hbm>> -> memref<1000001xi32, #tpu.memory_space<hbm>>
        tpu.wait_indirect_dma semaphore(%arg20 : memref<!tpu.dma_semaphore, #tpu.memory_space<semaphore_mem>>) src(%dma_wait3A_423 : memref<1000001xi32, #tpu.memory_space<hbm>>) dst(%dma_wait3A_421 : memref<160xi32, #tpu.memory_space<vmem>>)
        %get3A_424 = arith.constant 0 : index
        %get3A_425 = tpu.vector_load %arg14[%get3A_424] {strides = array<i32>} : memref<480xi32, #tpu.memory_space<vmem>>, vector<16xi32>,
        %get3A_426 = vector.shape_cast %get3A_425 : vector<16xi32> to vector<16xi32>
        %add3A_427 = arith.constant 1 : i32
        %add3A_428 = vector.broadcast %add3A_427 : i32 to vector<16xi32>
        %add3A_429 = arith.addi %get3A_426, %add3A_428 : vector<16xi32>
        %swap3A_430 = arith.constant 0 : index
        %swap3A_431 = tpu.vector_load %arg14[%swap3A_430] {strides = array<i32>} : memref<480xi32, #tpu.memory_space<vmem>>, vector<16xi32>,
        %swap3A_432 = vector.shape_cast %swap3A_431 : vector<16xi32> to vector<16xi32>
        %swap3A_433 = vector.shape_cast %add3A_429 : vector<16xi32> to vector<16xi32>
        tpu.vector_store %arg14[%swap3A_430], %swap3A_433 {strides = array<i32>} : memref<480xi32, #tpu.memory_space<vmem>>, vector<16xi32>,
        %get3A_434 = arith.constant 16 : index
        %get3A_435 = tpu.vector_load %arg14[%get3A_434] {strides = array<i32>} : memref<480xi32, #tpu.memory_space<vmem>>, vector<16xi32>,
        %get3A_436 = vector.shape_cast %get3A_435 : vector<16xi32> to vector<16xi32>
        %add3A_437 = arith.constant 1 : i32
        %add3A_438 = vector.broadcast %add3A_437 : i32 to vector<16xi32>
        %add3A_439 = arith.addi %get3A_436, %add3A_438 : vector<16xi32>
        %swap3A_440 = arith.constant 16 : index
        %swap3A_441 = tpu.vector_load %arg14[%swap3A_440] {strides = array<i32>} : memref<480xi32, #tpu.memory_space<vmem>>, vector<16xi32>,
        %swap3A_442 = vector.shape_cast %swap3A_441 : vector<16xi32> to vector<16xi32>
        %swap3A_443 = vector.shape_cast %add3A_439 : vector<16xi32> to vector<16xi32>
        tpu.vector_store %arg14[%swap3A_440], %swap3A_443 {strides = array<i32>} : memref<480xi32, #tpu.memory_space<vmem>>, vector<16xi32>,
        %get3A_444 = arith.constant 32 : index
        %get3A_445 = tpu.vector_load %arg14[%get3A_444] {strides = array<i32>} : memref<480xi32, #tpu.memory_space<vmem>>, vector<16xi32>,
        %get3A_446 = vector.shape_cast %get3A_445 : vector<16xi32> to vector<16xi32>
        %add3A_447 = arith.constant 1 : i32
        %add3A_448 = vector.broadcast %add3A_447 : i32 to vector<16xi32>
        %add3A_449 = arith.addi %get3A_446, %add3A_448 : vector<16xi32>
        %swap3A_450 = arith.constant 32 : index
        %swap3A_451 = tpu.vector_load %arg14[%swap3A_450] {strides = array<i32>} : memref<480xi32, #tpu.memory_space<vmem>>, vector<16xi32>,
        %swap3A_452 = vector.shape_cast %swap3A_451 : vector<16xi32> to vector<16xi32>
        %swap3A_453 = vector.shape_cast %add3A_449 : vector<16xi32> to vector<16xi32>
        tpu.vector_store %arg14[%swap3A_450], %swap3A_453 {strides = array<i32>} : memref<480xi32, #tpu.memory_space<vmem>>, vector<16xi32>,
        %get3A_454 = arith.constant 48 : index
        %get3A_455 = tpu.vector_load %arg14[%get3A_454] {strides = array<i32>} : memref<480xi32, #tpu.memory_space<vmem>>, vector<16xi32>,
        %get3A_456 = vector.shape_cast %get3A_455 : vector<16xi32> to vector<16xi32>
        %add3A_457 = arith.constant 1 : i32
        %add3A_458 = vector.broadcast %add3A_457 : i32 to vector<16xi32>
        %add3A_459 = arith.addi %get3A_456, %add3A_458 : vector<16xi32>
        %swap3A_460 = arith.constant 48 : index
        %swap3A_461 = tpu.vector_load %arg14[%swap3A_460] {strides = array<i32>} : memref<480xi32, #tpu.memory_space<vmem>>, vector<16xi32>,
        %swap3A_462 = vector.shape_cast %swap3A_461 : vector<16xi32> to vector<16xi32>
        %swap3A_463 = vector.shape_cast %add3A_459 : vector<16xi32> to vector<16xi32>
        tpu.vector_store %arg14[%swap3A_460], %swap3A_463 {strides = array<i32>} : memref<480xi32, #tpu.memory_space<vmem>>, vector<16xi32>,
        %get3A_464 = arith.constant 64 : index
        %get3A_465 = tpu.vector_load %arg14[%get3A_464] {strides = array<i32>} : memref<480xi32, #tpu.memory_space<vmem>>, vector<16xi32>,
        %get3A_466 = vector.shape_cast %get3A_465 : vector<16xi32> to vector<16xi32>
        %add3A_467 = arith.constant 1 : i32
        %add3A_468 = vector.broadcast %add3A_467 : i32 to vector<16xi32>
        %add3A_469 = arith.addi %get3A_466, %add3A_468 : vector<16xi32>
        %swap3A_470 = arith.constant 64 : index
        %swap3A_471 = tpu.vector_load %arg14[%swap3A_470] {strides = array<i32>} : memref<480xi32, #tpu.memory_space<vmem>>, vector<16xi32>,
        %swap3A_472 = vector.shape_cast %swap3A_471 : vector<16xi32> to vector<16xi32>
        %swap3A_473 = vector.shape_cast %add3A_469 : vector<16xi32> to vector<16xi32>
        tpu.vector_store %arg14[%swap3A_470], %swap3A_473 {strides = array<i32>} : memref<480xi32, #tpu.memory_space<vmem>>, vector<16xi32>,
        %get3A_474 = arith.constant 80 : index
        %get3A_475 = tpu.vector_load %arg14[%get3A_474] {strides = array<i32>} : memref<480xi32, #tpu.memory_space<vmem>>, vector<16xi32>,
        %get3A_476 = vector.shape_cast %get3A_475 : vector<16xi32> to vector<16xi32>
        %add3A_477 = arith.constant 1 : i32
        %add3A_478 = vector.broadcast %add3A_477 : i32 to vector<16xi32>
        %add3A_479 = arith.addi %get3A_476, %add3A_478 : vector<16xi32>
        %swap3A_480 = arith.constant 80 : index
        %swap3A_481 = tpu.vector_load %arg14[%swap3A_480] {strides = array<i32>} : memref<480xi32, #tpu.memory_space<vmem>>, vector<16xi32>,
        %swap3A_482 = vector.shape_cast %swap3A_481 : vector<16xi32> to vector<16xi32>
        %swap3A_483 = vector.shape_cast %add3A_479 : vector<16xi32> to vector<16xi32>
        tpu.vector_store %arg14[%swap3A_480], %swap3A_483 {strides = array<i32>} : memref<480xi32, #tpu.memory_space<vmem>>, vector<16xi32>,
        %get3A_484 = arith.constant 96 : index
        %get3A_485 = tpu.vector_load %arg14[%get3A_484] {strides = array<i32>} : memref<480xi32, #tpu.memory_space<vmem>>, vector<16xi32>,
        %get3A_486 = vector.shape_cast %get3A_485 : vector<16xi32> to vector<16xi32>
        %add3A_487 = arith.constant 1 : i32
        %add3A_488 = vector.broadcast %add3A_487 : i32 to vector<16xi32>
        %add3A_489 = arith.addi %get3A_486, %add3A_488 : vector<16xi32>
        %swap3A_490 = arith.constant 96 : index
        %swap3A_491 = tpu.vector_load %arg14[%swap3A_490] {strides = array<i32>} : memref<480xi32, #tpu.memory_space<vmem>>, vector<16xi32>,
        %swap3A_492 = vector.shape_cast %swap3A_491 : vector<16xi32> to vector<16xi32>
        %swap3A_493 = vector.shape_cast %add3A_489 : vector<16xi32> to vector<16xi32>
        tpu.vector_store %arg14[%swap3A_490], %swap3A_493 {strides = array<i32>} : memref<480xi32, #tpu.memory_space<vmem>>, vector<16xi32>,
        %get3A_494 = arith.constant 112 : index
        %get3A_495 = tpu.vector_load %arg14[%get3A_494] {strides = array<i32>} : memref<480xi32, #tpu.memory_space<vmem>>, vector<16xi32>,
        %get3A_496 = vector.shape_cast %get3A_495 : vector<16xi32> to vector<16xi32>
        %add3A_497 = arith.constant 1 : i32
        %add3A_498 = vector.broadcast %add3A_497 : i32 to vector<16xi32>
        %add3A_499 = arith.addi %get3A_496, %add3A_498 : vector<16xi32>
        %swap3A_500 = arith.constant 112 : index
        %swap3A_501 = tpu.vector_load %arg14[%swap3A_500] {strides = array<i32>} : memref<480xi32, #tpu.memory_space<vmem>>, vector<16xi32>,
        %swap3A_502 = vector.shape_cast %swap3A_501 : vector<16xi32> to vector<16xi32>
        %swap3A_503 = vector.shape_cast %add3A_499 : vector<16xi32> to vector<16xi32>
        tpu.vector_store %arg14[%swap3A_500], %swap3A_503 {strides = array<i32>} : memref<480xi32, #tpu.memory_space<vmem>>, vector<16xi32>,
        %get3A_504 = arith.constant 128 : index
        %get3A_505 = tpu.vector_load %arg14[%get3A_504] {strides = array<i32>} : memref<480xi32, #tpu.memory_space<vmem>>, vector<16xi32>,
        %get3A_506 = vector.shape_cast %get3A_505 : vector<16xi32> to vector<16xi32>
        %add3A_507 = arith.constant 1 : i32
        %add3A_508 = vector.broadcast %add3A_507 : i32 to vector<16xi32>
        %add3A_509 = arith.addi %get3A_506, %add3A_508 : vector<16xi32>
        %swap3A_510 = arith.constant 128 : index
        %swap3A_511 = tpu.vector_load %arg14[%swap3A_510] {strides = array<i32>} : memref<480xi32, #tpu.memory_space<vmem>>, vector<16xi32>,
        %swap3A_512 = vector.shape_cast %swap3A_511 : vector<16xi32> to vector<16xi32>
        %swap3A_513 = vector.shape_cast %add3A_509 : vector<16xi32> to vector<16xi32>
        tpu.vector_store %arg14[%swap3A_510], %swap3A_513 {strides = array<i32>} : memref<480xi32, #tpu.memory_space<vmem>>, vector<16xi32>,
        %get3A_514 = arith.constant 144 : index
        %get3A_515 = tpu.vector_load %arg14[%get3A_514] {strides = array<i32>} : memref<480xi32, #tpu.memory_space<vmem>>, vector<16xi32>,
        %get3A_516 = vector.shape_cast %get3A_515 : vector<16xi32> to vector<16xi32>
        %add3A_517 = arith.constant 1 : i32
        %add3A_518 = vector.broadcast %add3A_517 : i32 to vector<16xi32>
        %add3A_519 = arith.addi %get3A_516, %add3A_518 : vector<16xi32>
        %swap3A_520 = arith.constant 144 : index
        %swap3A_521 = tpu.vector_load %arg14[%swap3A_520] {strides = array<i32>} : memref<480xi32, #tpu.memory_space<vmem>>, vector<16xi32>,
        %swap3A_522 = vector.shape_cast %swap3A_521 : vector<16xi32> to vector<16xi32>
        %swap3A_523 = vector.shape_cast %add3A_519 : vector<16xi32> to vector<16xi32>
        tpu.vector_store %arg14[%swap3A_520], %swap3A_523 {strides = array<i32>} : memref<480xi32, #tpu.memory_space<vmem>>, vector<16xi32>,
        %get3A_524 = arith.constant 160 : index
        %get3A_525 = tpu.vector_load %arg14[%get3A_524] {strides = array<i32>} : memref<480xi32, #tpu.memory_space<vmem>>, vector<16xi32>,
        %get3A_526 = vector.shape_cast %get3A_525 : vector<16xi32> to vector<16xi32>
        %add3A_527 = arith.constant 1025 : i32
        %add3A_528 = vector.broadcast %add3A_527 : i32 to vector<16xi32>
        %add3A_529 = arith.addi %get3A_526, %add3A_528 : vector<16xi32>
        %swap3A_530 = arith.constant 160 : index
        %swap3A_531 = tpu.vector_load %arg14[%swap3A_530] {strides = array<i32>} : memref<480xi32, #tpu.memory_space<vmem>>, vector<16xi32>,
        %swap3A_532 = vector.shape_cast %swap3A_531 : vector<16xi32> to vector<16xi32>
        %swap3A_533 = vector.shape_cast %add3A_529 : vector<16xi32> to vector<16xi32>
        tpu.vector_store %arg14[%swap3A_530], %swap3A_533 {strides = array<i32>} : memref<480xi32, #tpu.memory_space<vmem>>, vector<16xi32>,
        %get3A_534 = arith.constant 176 : index
        %get3A_535 = tpu.vector_load %arg14[%get3A_534] {strides = array<i32>} : memref<480xi32, #tpu.memory_space<vmem>>, vector<16xi32>,
        %get3A_536 = vector.shape_cast %get3A_535 : vector<16xi32> to vector<16xi32>
        %add3A_537 = arith.constant 1025 : i32
        %add3A_538 = vector.broadcast %add3A_537 : i32 to vector<16xi32>
        %add3A_539 = arith.addi %get3A_536, %add3A_538 : vector<16xi32>
        %swap3A_540 = arith.constant 176 : index
        %swap3A_541 = tpu.vector_load %arg14[%swap3A_540] {strides = array<i32>} : memref<480xi32, #tpu.memory_space<vmem>>, vector<16xi32>,
        %swap3A_542 = vector.shape_cast %swap3A_541 : vector<16xi32> to vector<16xi32>
        %swap3A_543 = vector.shape_cast %add3A_539 : vector<16xi32> to vector<16xi32>
        tpu.vector_store %arg14[%swap3A_540], %swap3A_543 {strides = array<i32>} : memref<480xi32, #tpu.memory_space<vmem>>, vector<16xi32>,
        %get3A_544 = arith.constant 192 : index
        %get3A_545 = tpu.vector_load %arg14[%get3A_544] {strides = array<i32>} : memref<480xi32, #tpu.memory_space<vmem>>, vector<16xi32>,
        %get3A_546 = vector.shape_cast %get3A_545 : vector<16xi32> to vector<16xi32>
        %add3A_547 = arith.constant 1025 : i32
        %add3A_548 = vector.broadcast %add3A_547 : i32 to vector<16xi32>
        %add3A_549 = arith.addi %get3A_546, %add3A_548 : vector<16xi32>
        %swap3A_550 = arith.constant 192 : index
        %swap3A_551 = tpu.vector_load %arg14[%swap3A_550] {strides = array<i32>} : memref<480xi32, #tpu.memory_space<vmem>>, vector<16xi32>,
        %swap3A_552 = vector.shape_cast %swap3A_551 : vector<16xi32> to vector<16xi32>
        %swap3A_553 = vector.shape_cast %add3A_549 : vector<16xi32> to vector<16xi32>
        tpu.vector_store %arg14[%swap3A_550], %swap3A_553 {strides = array<i32>} : memref<480xi32, #tpu.memory_space<vmem>>, vector<16xi32>,
        %get3A_554 = arith.constant 208 : index
        %get3A_555 = tpu.vector_load %arg14[%get3A_554] {strides = array<i32>} : memref<480xi32, #tpu.memory_space<vmem>>, vector<16xi32>,
        %get3A_556 = vector.shape_cast %get3A_555 : vector<16xi32> to vector<16xi32>
        %add3A_557 = arith.constant 1025 : i32
        %add3A_558 = vector.broadcast %add3A_557 : i32 to vector<16xi32>
        %add3A_559 = arith.addi %get3A_556, %add3A_558 : vector<16xi32>
        %swap3A_560 = arith.constant 208 : index
        %swap3A_561 = tpu.vector_load %arg14[%swap3A_560] {strides = array<i32>} : memref<480xi32, #tpu.memory_space<vmem>>, vector<16xi32>,
        %swap3A_562 = vector.shape_cast %swap3A_561 : vector<16xi32> to vector<16xi32>
        %swap3A_563 = vector.shape_cast %add3A_559 : vector<16xi32> to vector<16xi32>
        tpu.vector_store %arg14[%swap3A_560], %swap3A_563 {strides = array<i32>} : memref<480xi32, #tpu.memory_space<vmem>>, vector<16xi32>,
        %get3A_564 = arith.constant 224 : index
        %get3A_565 = tpu.vector_load %arg14[%get3A_564] {strides = array<i32>} : memref<480xi32, #tpu.memory_space<vmem>>, vector<16xi32>,
        %get3A_566 = vector.shape_cast %get3A_565 : vector<16xi32> to vector<16xi32>
        %add3A_567 = arith.constant 1025 : i32
        %add3A_568 = vector.broadcast %add3A_567 : i32 to vector<16xi32>
        %add3A_569 = arith.addi %get3A_566, %add3A_568 : vector<16xi32>
        %swap3A_570 = arith.constant 224 : index
        %swap3A_571 = tpu.vector_load %arg14[%swap3A_570] {strides = array<i32>} : memref<480xi32, #tpu.memory_space<vmem>>, vector<16xi32>,
        %swap3A_572 = vector.shape_cast %swap3A_571 : vector<16xi32> to vector<16xi32>
        %swap3A_573 = vector.shape_cast %add3A_569 : vector<16xi32> to vector<16xi32>
        tpu.vector_store %arg14[%swap3A_570], %swap3A_573 {strides = array<i32>} : memref<480xi32, #tpu.memory_space<vmem>>, vector<16xi32>,
        %get3A_574 = arith.constant 240 : index
        %get3A_575 = tpu.vector_load %arg14[%get3A_574] {strides = array<i32>} : memref<480xi32, #tpu.memory_space<vmem>>, vector<16xi32>,
        %get3A_576 = vector.shape_cast %get3A_575 : vector<16xi32> to vector<16xi32>
        %add3A_577 = arith.constant 1025 : i32
        %add3A_578 = vector.broadcast %add3A_577 : i32 to vector<16xi32>
        %add3A_579 = arith.addi %get3A_576, %add3A_578 : vector<16xi32>
        %swap3A_580 = arith.constant 240 : index
        %swap3A_581 = tpu.vector_load %arg14[%swap3A_580] {strides = array<i32>} : memref<480xi32, #tpu.memory_space<vmem>>, vector<16xi32>,
        %swap3A_582 = vector.shape_cast %swap3A_581 : vector<16xi32> to vector<16xi32>
        %swap3A_583 = vector.shape_cast %add3A_579 : vector<16xi32> to vector<16xi32>
        tpu.vector_store %arg14[%swap3A_580], %swap3A_583 {strides = array<i32>} : memref<480xi32, #tpu.memory_space<vmem>>, vector<16xi32>,
        %get3A_584 = arith.constant 256 : index
        %get3A_585 = tpu.vector_load %arg14[%get3A_584] {strides = array<i32>} : memref<480xi32, #tpu.memory_space<vmem>>, vector<16xi32>,
        %get3A_586 = vector.shape_cast %get3A_585 : vector<16xi32> to vector<16xi32>
        %add3A_587 = arith.constant 1025 : i32
        %add3A_588 = vector.broadcast %add3A_587 : i32 to vector<16xi32>
        %add3A_589 = arith.addi %get3A_586, %add3A_588 : vector<16xi32>
        %swap3A_590 = arith.constant 256 : index
        %swap3A_591 = tpu.vector_load %arg14[%swap3A_590] {strides = array<i32>} : memref<480xi32, #tpu.memory_space<vmem>>, vector<16xi32>,
        %swap3A_592 = vector.shape_cast %swap3A_591 : vector<16xi32> to vector<16xi32>
        %swap3A_593 = vector.shape_cast %add3A_589 : vector<16xi32> to vector<16xi32>
        tpu.vector_store %arg14[%swap3A_590], %swap3A_593 {strides = array<i32>} : memref<480xi32, #tpu.memory_space<vmem>>, vector<16xi32>,
        %get3A_594 = arith.constant 272 : index
        %get3A_595 = tpu.vector_load %arg14[%get3A_594] {strides = array<i32>} : memref<480xi32, #tpu.memory_space<vmem>>, vector<16xi32>,
        %get3A_596 = vector.shape_cast %get3A_595 : vector<16xi32> to vector<16xi32>
        %add3A_597 = arith.constant 1025 : i32
        %add3A_598 = vector.broadcast %add3A_597 : i32 to vector<16xi32>
        %add3A_599 = arith.addi %get3A_596, %add3A_598 : vector<16xi32>
        %swap3A_600 = arith.constant 272 : index
        %swap3A_601 = tpu.vector_load %arg14[%swap3A_600] {strides = array<i32>} : memref<480xi32, #tpu.memory_space<vmem>>, vector<16xi32>,
        %swap3A_602 = vector.shape_cast %swap3A_601 : vector<16xi32> to vector<16xi32>
        %swap3A_603 = vector.shape_cast %add3A_599 : vector<16xi32> to vector<16xi32>
        tpu.vector_store %arg14[%swap3A_600], %swap3A_603 {strides = array<i32>} : memref<480xi32, #tpu.memory_space<vmem>>, vector<16xi32>,
        %get3A_604 = arith.constant 288 : index
        %get3A_605 = tpu.vector_load %arg14[%get3A_604] {strides = array<i32>} : memref<480xi32, #tpu.memory_space<vmem>>, vector<16xi32>,
        %get3A_606 = vector.shape_cast %get3A_605 : vector<16xi32> to vector<16xi32>
        %add3A_607 = arith.constant 1025 : i32
        %add3A_608 = vector.broadcast %add3A_607 : i32 to vector<16xi32>
        %add3A_609 = arith.addi %get3A_606, %add3A_608 : vector<16xi32>
        %swap3A_610 = arith.constant 288 : index
        %swap3A_611 = tpu.vector_load %arg14[%swap3A_610] {strides = array<i32>} : memref<480xi32, #tpu.memory_space<vmem>>, vector<16xi32>,
        %swap3A_612 = vector.shape_cast %swap3A_611 : vector<16xi32> to vector<16xi32>
        %swap3A_613 = vector.shape_cast %add3A_609 : vector<16xi32> to vector<16xi32>
        tpu.vector_store %arg14[%swap3A_610], %swap3A_613 {strides = array<i32>} : memref<480xi32, #tpu.memory_space<vmem>>, vector<16xi32>,
        %get3A_614 = arith.constant 304 : index
        %get3A_615 = tpu.vector_load %arg14[%get3A_614] {strides = array<i32>} : memref<480xi32, #tpu.memory_space<vmem>>, vector<16xi32>,
        %get3A_616 = vector.shape_cast %get3A_615 : vector<16xi32> to vector<16xi32>
        %add3A_617 = arith.constant 1025 : i32
        %add3A_618 = vector.broadcast %add3A_617 : i32 to vector<16xi32>
        %add3A_619 = arith.addi %get3A_616, %add3A_618 : vector<16xi32>
        %swap3A_620 = arith.constant 304 : index
        %swap3A_621 = tpu.vector_load %arg14[%swap3A_620] {strides = array<i32>} : memref<480xi32, #tpu.memory_space<vmem>>, vector<16xi32>,
        %swap3A_622 = vector.shape_cast %swap3A_621 : vector<16xi32> to vector<16xi32>
        %swap3A_623 = vector.shape_cast %add3A_619 : vector<16xi32> to vector<16xi32>
        tpu.vector_store %arg14[%swap3A_620], %swap3A_623 {strides = array<i32>} : memref<480xi32, #tpu.memory_space<vmem>>, vector<16xi32>,
        %get3A_624 = arith.constant 320 : index
        %get3A_625 = tpu.vector_load %arg14[%get3A_624] {strides = array<i32>} : memref<480xi32, #tpu.memory_space<vmem>>, vector<16xi32>,
        %get3A_626 = vector.shape_cast %get3A_625 : vector<16xi32> to vector<16xi32>
        %add3A_627 = arith.constant 2049 : i32
        %add3A_628 = vector.broadcast %add3A_627 : i32 to vector<16xi32>
        %add3A_629 = arith.addi %get3A_626, %add3A_628 : vector<16xi32>
        %swap3A_630 = arith.constant 320 : index
        %swap3A_631 = tpu.vector_load %arg14[%swap3A_630] {strides = array<i32>} : memref<480xi32, #tpu.memory_space<vmem>>, vector<16xi32>,
        %swap3A_632 = vector.shape_cast %swap3A_631 : vector<16xi32> to vector<16xi32>
        %swap3A_633 = vector.shape_cast %add3A_629 : vector<16xi32> to vector<16xi32>
        tpu.vector_store %arg14[%swap3A_630], %swap3A_633 {strides = array<i32>} : memref<480xi32, #tpu.memory_space<vmem>>, vector<16xi32>,
        %get3A_634 = arith.constant 336 : index
        %get3A_635 = tpu.vector_load %arg14[%get3A_634] {strides = array<i32>} : memref<480xi32, #tpu.memory_space<vmem>>, vector<16xi32>,
        %get3A_636 = vector.shape_cast %get3A_635 : vector<16xi32> to vector<16xi32>
        %add3A_637 = arith.constant 2049 : i32
        %add3A_638 = vector.broadcast %add3A_637 : i32 to vector<16xi32>
        %add3A_639 = arith.addi %get3A_636, %add3A_638 : vector<16xi32>
        %swap3A_640 = arith.constant 336 : index
        %swap3A_641 = tpu.vector_load %arg14[%swap3A_640] {strides = array<i32>} : memref<480xi32, #tpu.memory_space<vmem>>, vector<16xi32>,
        %swap3A_642 = vector.shape_cast %swap3A_641 : vector<16xi32> to vector<16xi32>
        %swap3A_643 = vector.shape_cast %add3A_639 : vector<16xi32> to vector<16xi32>
        tpu.vector_store %arg14[%swap3A_640], %swap3A_643 {strides = array<i32>} : memref<480xi32, #tpu.memory_space<vmem>>, vector<16xi32>,
        %get3A_644 = arith.constant 352 : index
        %get3A_645 = tpu.vector_load %arg14[%get3A_644] {strides = array<i32>} : memref<480xi32, #tpu.memory_space<vmem>>, vector<16xi32>,
        %get3A_646 = vector.shape_cast %get3A_645 : vector<16xi32> to vector<16xi32>
        %add3A_647 = arith.constant 2049 : i32
        %add3A_648 = vector.broadcast %add3A_647 : i32 to vector<16xi32>
        %add3A_649 = arith.addi %get3A_646, %add3A_648 : vector<16xi32>
        %swap3A_650 = arith.constant 352 : index
        %swap3A_651 = tpu.vector_load %arg14[%swap3A_650] {strides = array<i32>} : memref<480xi32, #tpu.memory_space<vmem>>, vector<16xi32>,
        %swap3A_652 = vector.shape_cast %swap3A_651 : vector<16xi32> to vector<16xi32>
        %swap3A_653 = vector.shape_cast %add3A_649 : vector<16xi32> to vector<16xi32>
        tpu.vector_store %arg14[%swap3A_650], %swap3A_653 {strides = array<i32>} : memref<480xi32, #tpu.memory_space<vmem>>, vector<16xi32>,
        %get3A_654 = arith.constant 368 : index
        %get3A_655 = tpu.vector_load %arg14[%get3A_654] {strides = array<i32>} : memref<480xi32, #tpu.memory_space<vmem>>, vector<16xi32>,
        %get3A_656 = vector.shape_cast %get3A_655 : vector<16xi32> to vector<16xi32>
        %add3A_657 = arith.constant 2049 : i32
        %add3A_658 = vector.broadcast %add3A_657 : i32 to vector<16xi32>
        %add3A_659 = arith.addi %get3A_656, %add3A_658 : vector<16xi32>
        %swap3A_660 = arith.constant 368 : index
        %swap3A_661 = tpu.vector_load %arg14[%swap3A_660] {strides = array<i32>} : memref<480xi32, #tpu.memory_space<vmem>>, vector<16xi32>,
        %swap3A_662 = vector.shape_cast %swap3A_661 : vector<16xi32> to vector<16xi32>
        %swap3A_663 = vector.shape_cast %add3A_659 : vector<16xi32> to vector<16xi32>
        tpu.vector_store %arg14[%swap3A_660], %swap3A_663 {strides = array<i32>} : memref<480xi32, #tpu.memory_space<vmem>>, vector<16xi32>,
        %get3A_664 = arith.constant 384 : index
        %get3A_665 = tpu.vector_load %arg14[%get3A_664] {strides = array<i32>} : memref<480xi32, #tpu.memory_space<vmem>>, vector<16xi32>,
        %get3A_666 = vector.shape_cast %get3A_665 : vector<16xi32> to vector<16xi32>
        %add3A_667 = arith.constant 2049 : i32
        %add3A_668 = vector.broadcast %add3A_667 : i32 to vector<16xi32>
        %add3A_669 = arith.addi %get3A_666, %add3A_668 : vector<16xi32>
        %swap3A_670 = arith.constant 384 : index
        %swap3A_671 = tpu.vector_load %arg14[%swap3A_670] {strides = array<i32>} : memref<480xi32, #tpu.memory_space<vmem>>, vector<16xi32>,
        %swap3A_672 = vector.shape_cast %swap3A_671 : vector<16xi32> to vector<16xi32>
        %swap3A_673 = vector.shape_cast %add3A_669 : vector<16xi32> to vector<16xi32>
        tpu.vector_store %arg14[%swap3A_670], %swap3A_673 {strides = array<i32>} : memref<480xi32, #tpu.memory_space<vmem>>, vector<16xi32>,
        %get3A_674 = arith.constant 400 : index
        %get3A_675 = tpu.vector_load %arg14[%get3A_674] {strides = array<i32>} : memref<480xi32, #tpu.memory_space<vmem>>, vector<16xi32>,
        %get3A_676 = vector.shape_cast %get3A_675 : vector<16xi32> to vector<16xi32>
        %add3A_677 = arith.constant 2049 : i32
        %add3A_678 = vector.broadcast %add3A_677 : i32 to vector<16xi32>
        %add3A_679 = arith.addi %get3A_676, %add3A_678 : vector<16xi32>
        %swap3A_680 = arith.constant 400 : index
        %swap3A_681 = tpu.vector_load %arg14[%swap3A_680] {strides = array<i32>} : memref<480xi32, #tpu.memory_space<vmem>>, vector<16xi32>,
        %swap3A_682 = vector.shape_cast %swap3A_681 : vector<16xi32> to vector<16xi32>
        %swap3A_683 = vector.shape_cast %add3A_679 : vector<16xi32> to vector<16xi32>
        tpu.vector_store %arg14[%swap3A_680], %swap3A_683 {strides = array<i32>} : memref<480xi32, #tpu.memory_space<vmem>>, vector<16xi32>,
        %get3A_684 = arith.constant 416 : index
        %get3A_685 = tpu.vector_load %arg14[%get3A_684] {strides = array<i32>} : memref<480xi32, #tpu.memory_space<vmem>>, vector<16xi32>,
        %get3A_686 = vector.shape_cast %get3A_685 : vector<16xi32> to vector<16xi32>
        %add3A_687 = arith.constant 2049 : i32
        %add3A_688 = vector.broadcast %add3A_687 : i32 to vector<16xi32>
        %add3A_689 = arith.addi %get3A_686, %add3A_688 : vector<16xi32>
        %swap3A_690 = arith.constant 416 : index
        %swap3A_691 = tpu.vector_load %arg14[%swap3A_690] {strides = array<i32>} : memref<480xi32, #tpu.memory_space<vmem>>, vector<16xi32>,
        %swap3A_692 = vector.shape_cast %swap3A_691 : vector<16xi32> to vector<16xi32>
        %swap3A_693 = vector.shape_cast %add3A_689 : vector<16xi32> to vector<16xi32>
        tpu.vector_store %arg14[%swap3A_690], %swap3A_693 {strides = array<i32>} : memref<480xi32, #tpu.memory_space<vmem>>, vector<16xi32>,
        %get3A_694 = arith.constant 432 : index
        %get3A_695 = tpu.vector_load %arg14[%get3A_694] {strides = array<i32>} : memref<480xi32, #tpu.memory_space<vmem>>, vector<16xi32>,
        %get3A_696 = vector.shape_cast %get3A_695 : vector<16xi32> to vector<16xi32>
        %add3A_697 = arith.constant 2049 : i32
        %add3A_698 = vector.broadcast %add3A_697 : i32 to vector<16xi32>
        %add3A_699 = arith.addi %get3A_696, %add3A_698 : vector<16xi32>
        %swap3A_700 = arith.constant 432 : index
        %swap3A_701 = tpu.vector_load %arg14[%swap3A_700] {strides = array<i32>} : memref<480xi32, #tpu.memory_space<vmem>>, vector<16xi32>,
        %swap3A_702 = vector.shape_cast %swap3A_701 : vector<16xi32> to vector<16xi32>
        %swap3A_703 = vector.shape_cast %add3A_699 : vector<16xi32> to vector<16xi32>
        tpu.vector_store %arg14[%swap3A_700], %swap3A_703 {strides = array<i32>} : memref<480xi32, #tpu.memory_space<vmem>>, vector<16xi32>,
        %get3A_704 = arith.constant 448 : index
        %get3A_705 = tpu.vector_load %arg14[%get3A_704] {strides = array<i32>} : memref<480xi32, #tpu.memory_space<vmem>>, vector<16xi32>,
        %get3A_706 = vector.shape_cast %get3A_705 : vector<16xi32> to vector<16xi32>
        %add3A_707 = arith.constant 2049 : i32
        %add3A_708 = vector.broadcast %add3A_707 : i32 to vector<16xi32>
        %add3A_709 = arith.addi %get3A_706, %add3A_708 : vector<16xi32>
        %swap3A_710 = arith.constant 448 : index
        %swap3A_711 = tpu.vector_load %arg14[%swap3A_710] {strides = array<i32>} : memref<480xi32, #tpu.memory_space<vmem>>, vector<16xi32>,
        %swap3A_712 = vector.shape_cast %swap3A_711 : vector<16xi32> to vector<16xi32>
        %swap3A_713 = vector.shape_cast %add3A_709 : vector<16xi32> to vector<16xi32>
        tpu.vector_store %arg14[%swap3A_710], %swap3A_713 {strides = array<i32>} : memref<480xi32, #tpu.memory_space<vmem>>, vector<16xi32>,
        %get3A_714 = arith.constant 464 : index
        %get3A_715 = tpu.vector_load %arg14[%get3A_714] {strides = array<i32>} : memref<480xi32, #tpu.memory_space<vmem>>, vector<16xi32>,
        %get3A_716 = vector.shape_cast %get3A_715 : vector<16xi32> to vector<16xi32>
        %add3A_717 = arith.constant 2049 : i32
        %add3A_718 = vector.broadcast %add3A_717 : i32 to vector<16xi32>
        %add3A_719 = arith.addi %get3A_716, %add3A_718 : vector<16xi32>
        %swap3A_720 = arith.constant 464 : index
        %swap3A_721 = tpu.vector_load %arg14[%swap3A_720] {strides = array<i32>} : memref<480xi32, #tpu.memory_space<vmem>>, vector<16xi32>,
        %swap3A_722 = vector.shape_cast %swap3A_721 : vector<16xi32> to vector<16xi32>
        %swap3A_723 = vector.shape_cast %add3A_719 : vector<16xi32> to vector<16xi32>
        tpu.vector_store %arg14[%swap3A_720], %swap3A_723 {strides = array<i32>} : memref<480xi32, #tpu.memory_space<vmem>>, vector<16xi32>,
        %dma_start3A_724 = arith.constant 0 : i32
        %dma_start3A_725 = arith.constant 0 : i32
        %dma_start3A_726 = tpu.memref_slice %arg6[%dma_start3A_724, %dma_start3A_725] : memref<3073x64xf32, #tpu.memory_space<hbm>> -> memref<3073x64xf32, #tpu.memory_space<hbm>>
        tpu.enqueue_indirect_dma source(%dma_start3A_726 : memref<3073x64xf32, #tpu.memory_space<hbm>>) target(%arg15 : memref<480x64xf32, #tpu.memory_space<vmem>>) offsets(%arg14 : memref<480xi32, #tpu.memory_space<vmem>>) semaphore(%arg22 : memref<!tpu.dma_semaphore, #tpu.memory_space<semaphore_mem>>)
      } else {
      }
      %mul3A_345 = arith.constant 25600 : i32
      %mul3A_346 = arith.muli %add3A, %mul3A_345 : i32
      %mul3A_347 = arith.constant 160 : i32
      %mul3A_348 = arith.muli %add3A_340, %mul3A_347 : i32
      %add3A_349 = arith.addi %mul3A_346, %mul3A_348 : i32
      %dma_wait3A_350 = arith.constant 0 : i32
      %dma_wait3A_351 = arith.constant 0 : i32
      %dma_wait3A_352 = tpu.memref_slice %arg6[%dma_wait3A_350, %dma_wait3A_351] : memref<3073x64xf32, #tpu.memory_space<hbm>> -> memref<3073x64xf32, #tpu.memory_space<hbm>>
      tpu.wait_indirect_dma semaphore(%arg19 : memref<!tpu.dma_semaphore, #tpu.memory_space<semaphore_mem>>) src(%dma_wait3A_352 : memref<3073x64xf32, #tpu.memory_space<hbm>>) dst(%arg11 : memref<480x64xf32, #tpu.memory_space<vmem>>)
      %dma_wait3A_353 = arith.constant 0 : i32
      %dma_wait3A_354 = arith.constant 0 : i32
      %dma_wait3A_355 = tpu.memref_slice %arg7[%dma_wait3A_353, %dma_wait3A_354] : memref<1000001x64xf32, #tpu.memory_space<hbm>> -> memref<1000001x64xf32, #tpu.memory_space<hbm>>
      tpu.wait_indirect_dma semaphore(%arg18 : memref<!tpu.dma_semaphore, #tpu.memory_space<semaphore_mem>>) src(%dma_wait3A_355 : memref<1000001x64xf32, #tpu.memory_space<hbm>>) dst(%arg12 : memref<160x64xf32, #tpu.memory_space<vmem>>)
      %scan3A_356 = arith.constant 0 : i32
      %scan3A_357 = arith.constant 0 : i32
      %scan3A_358 = arith.constant 160 : i32
      %scan3A_359 = arith.addi %scan3A_357, %scan3A_358 : i32
      %scan3A_360 = arith.constant 1 : i32
      scf.for %scan3A_390 = %scan3A_357 to %scan3A_359 step %scan3A_360  : i32 {
        %get3A_391 = arith.index_cast %scan3A_390 : i32 to index
        %get3A_392 = arith.constant 0 : index
        %get3A_393 = tpu.vector_load %arg12[%get3A_391, %get3A_392] {strides = array<i32>} : memref<160x64xf32, #tpu.memory_space<vmem>>, vector<1x16xf32>,
        %get3A_394 = vector.shape_cast %get3A_393 : vector<1x16xf32> to vector<16xf32>
        %get3A_395 = arith.index_cast %scan3A_390 : i32 to index
        %get3A_396 = arith.constant 0 : index
        %get3A_397 = tpu.vector_load %arg11[%get3A_395, %get3A_396] {strides = array<i32>} : memref<480x64xf32, #tpu.memory_space<vmem>>, vector<1x16xf32>,
        %get3A_398 = vector.shape_cast %get3A_397 : vector<1x16xf32> to vector<16xf32>
        %add3A_399 = arith.addf %get3A_394, %get3A_398 : vector<16xf32>
        %add3A_400 = arith.constant 160 : i32
        %add3A_401 = arith.addi %add3A_400, %scan3A_390 : i32
        %get3A_402 = arith.index_cast %add3A_401 : i32 to index
        %get3A_403 = arith.constant 0 : index
        %get3A_404 = tpu.vector_load %arg11[%get3A_402, %get3A_403] {strides = array<i32>} : memref<480x64xf32, #tpu.memory_space<vmem>>, vector<1x16xf32>,
        %get3A_405 = vector.shape_cast %get3A_404 : vector<1x16xf32> to vector<16xf32>
        %add3A_406 = arith.addf %add3A_399, %get3A_405 : vector<16xf32>
        %add3A_407 = arith.constant 320 : i32
        %add3A_408 = arith.addi %add3A_407, %scan3A_390 : i32
        %get3A_409 = arith.index_cast %add3A_408 : i32 to index
        %get3A_410 = arith.constant 0 : index
        %get3A_411 = tpu.vector_load %arg11[%get3A_409, %get3A_410] {strides = array<i32>} : memref<480x64xf32, #tpu.memory_space<vmem>>, vector<1x16xf32>,
        %get3A_412 = vector.shape_cast %get3A_411 : vector<1x16xf32> to vector<16xf32>
        %add3A_413 = arith.addf %add3A_406, %get3A_412 : vector<16xf32>
        %swap3A_414 = arith.index_cast %scan3A_390 : i32 to index
        %swap3A_415 = arith.constant 0 : index
        %swap3A_416 = tpu.vector_load %arg12[%swap3A_414, %swap3A_415] {strides = array<i32>} : memref<160x64xf32, #tpu.memory_space<vmem>>, vector<1x16xf32>,
        %swap3A_417 = vector.shape_cast %swap3A_416 : vector<1x16xf32> to vector<16xf32>
        %swap3A_418 = vector.shape_cast %add3A_413 : vector<16xf32> to vector<1x16xf32>
        tpu.vector_store %arg12[%swap3A_414, %swap3A_415], %swap3A_418 {strides = array<i32>} : memref<160x64xf32, #tpu.memory_space<vmem>>, vector<1x16xf32>,
        %get3A_419 = arith.index_cast %scan3A_390 : i32 to index
        %get3A_420 = arith.constant 16 : index
        %get3A_421 = tpu.vector_load %arg12[%get3A_419, %get3A_420] {strides = array<i32>} : memref<160x64xf32, #tpu.memory_space<vmem>>, vector<1x16xf32>,
        %get3A_422 = vector.shape_cast %get3A_421 : vector<1x16xf32> to vector<16xf32>
        %get3A_423 = arith.index_cast %scan3A_390 : i32 to index
        %get3A_424 = arith.constant 16 : index
        %get3A_425 = tpu.vector_load %arg11[%get3A_423, %get3A_424] {strides = array<i32>} : memref<480x64xf32, #tpu.memory_space<vmem>>, vector<1x16xf32>,
        %get3A_426 = vector.shape_cast %get3A_425 : vector<1x16xf32> to vector<16xf32>
        %add3A_427 = arith.addf %get3A_422, %get3A_426 : vector<16xf32>
        %add3A_428 = arith.constant 160 : i32
        %add3A_429 = arith.addi %add3A_428, %scan3A_390 : i32
        %get3A_430 = arith.index_cast %add3A_429 : i32 to index
        %get3A_431 = arith.constant 16 : index
        %get3A_432 = tpu.vector_load %arg11[%get3A_430, %get3A_431] {strides = array<i32>} : memref<480x64xf32, #tpu.memory_space<vmem>>, vector<1x16xf32>,
        %get3A_433 = vector.shape_cast %get3A_432 : vector<1x16xf32> to vector<16xf32>
        %add3A_434 = arith.addf %add3A_427, %get3A_433 : vector<16xf32>
        %add3A_435 = arith.constant 320 : i32
        %add3A_436 = arith.addi %add3A_435, %scan3A_390 : i32
        %get3A_437 = arith.index_cast %add3A_436 : i32 to index
        %get3A_438 = arith.constant 16 : index
        %get3A_439 = tpu.vector_load %arg11[%get3A_437, %get3A_438] {strides = array<i32>} : memref<480x64xf32, #tpu.memory_space<vmem>>, vector<1x16xf32>,
        %get3A_440 = vector.shape_cast %get3A_439 : vector<1x16xf32> to vector<16xf32>
        %add3A_441 = arith.addf %add3A_434, %get3A_440 : vector<16xf32>
        %swap3A_442 = arith.index_cast %scan3A_390 : i32 to index
        %swap3A_443 = arith.constant 16 : index
        %swap3A_444 = tpu.vector_load %arg12[%swap3A_442, %swap3A_443] {strides = array<i32>} : memref<160x64xf32, #tpu.memory_space<vmem>>, vector<1x16xf32>,
        %swap3A_445 = vector.shape_cast %swap3A_444 : vector<1x16xf32> to vector<16xf32>
        %swap3A_446 = vector.shape_cast %add3A_441 : vector<16xf32> to vector<1x16xf32>
        tpu.vector_store %arg12[%swap3A_442, %swap3A_443], %swap3A_446 {strides = array<i32>} : memref<160x64xf32, #tpu.memory_space<vmem>>, vector<1x16xf32>,
        %get3A_447 = arith.index_cast %scan3A_390 : i32 to index
        %get3A_448 = arith.constant 32 : index
        %get3A_449 = tpu.vector_load %arg12[%get3A_447, %get3A_448] {strides = array<i32>} : memref<160x64xf32, #tpu.memory_space<vmem>>, vector<1x16xf32>,
        %get3A_450 = vector.shape_cast %get3A_449 : vector<1x16xf32> to vector<16xf32>
        %get3A_451 = arith.index_cast %scan3A_390 : i32 to index
        %get3A_452 = arith.constant 32 : index
        %get3A_453 = tpu.vector_load %arg11[%get3A_451, %get3A_452] {strides = array<i32>} : memref<480x64xf32, #tpu.memory_space<vmem>>, vector<1x16xf32>,
        %get3A_454 = vector.shape_cast %get3A_453 : vector<1x16xf32> to vector<16xf32>
        %add3A_455 = arith.addf %get3A_450, %get3A_454 : vector<16xf32>
        %add3A_456 = arith.constant 160 : i32
        %add3A_457 = arith.addi %add3A_456, %scan3A_390 : i32
        %get3A_458 = arith.index_cast %add3A_457 : i32 to index
        %get3A_459 = arith.constant 32 : index
        %get3A_460 = tpu.vector_load %arg11[%get3A_458, %get3A_459] {strides = array<i32>} : memref<480x64xf32, #tpu.memory_space<vmem>>, vector<1x16xf32>,
        %get3A_461 = vector.shape_cast %get3A_460 : vector<1x16xf32> to vector<16xf32>
        %add3A_462 = arith.addf %add3A_455, %get3A_461 : vector<16xf32>
        %add3A_463 = arith.constant 320 : i32
        %add3A_464 = arith.addi %add3A_463, %scan3A_390 : i32
        %get3A_465 = arith.index_cast %add3A_464 : i32 to index
        %get3A_466 = arith.constant 32 : index
        %get3A_467 = tpu.vector_load %arg11[%get3A_465, %get3A_466] {strides = array<i32>} : memref<480x64xf32, #tpu.memory_space<vmem>>, vector<1x16xf32>,
        %get3A_468 = vector.shape_cast %get3A_467 : vector<1x16xf32> to vector<16xf32>
        %add3A_469 = arith.addf %add3A_462, %get3A_468 : vector<16xf32>
        %swap3A_470 = arith.index_cast %scan3A_390 : i32 to index
        %swap3A_471 = arith.constant 32 : index
        %swap3A_472 = tpu.vector_load %arg12[%swap3A_470, %swap3A_471] {strides = array<i32>} : memref<160x64xf32, #tpu.memory_space<vmem>>, vector<1x16xf32>,
        %swap3A_473 = vector.shape_cast %swap3A_472 : vector<1x16xf32> to vector<16xf32>
        %swap3A_474 = vector.shape_cast %add3A_469 : vector<16xf32> to vector<1x16xf32>
        tpu.vector_store %arg12[%swap3A_470, %swap3A_471], %swap3A_474 {strides = array<i32>} : memref<160x64xf32, #tpu.memory_space<vmem>>, vector<1x16xf32>,
        %get3A_475 = arith.index_cast %scan3A_390 : i32 to index
        %get3A_476 = arith.constant 48 : index
        %get3A_477 = tpu.vector_load %arg12[%get3A_475, %get3A_476] {strides = array<i32>} : memref<160x64xf32, #tpu.memory_space<vmem>>, vector<1x16xf32>,
        %get3A_478 = vector.shape_cast %get3A_477 : vector<1x16xf32> to vector<16xf32>
        %get3A_479 = arith.index_cast %scan3A_390 : i32 to index
        %get3A_480 = arith.constant 48 : index
        %get3A_481 = tpu.vector_load %arg11[%get3A_479, %get3A_480] {strides = array<i32>} : memref<480x64xf32, #tpu.memory_space<vmem>>, vector<1x16xf32>,
        %get3A_482 = vector.shape_cast %get3A_481 : vector<1x16xf32> to vector<16xf32>
        %add3A_483 = arith.addf %get3A_478, %get3A_482 : vector<16xf32>
        %add3A_484 = arith.constant 160 : i32
        %add3A_485 = arith.addi %add3A_484, %scan3A_390 : i32
        %get3A_486 = arith.index_cast %add3A_485 : i32 to index
        %get3A_487 = arith.constant 48 : index
        %get3A_488 = tpu.vector_load %arg11[%get3A_486, %get3A_487] {strides = array<i32>} : memref<480x64xf32, #tpu.memory_space<vmem>>, vector<1x16xf32>,
        %get3A_489 = vector.shape_cast %get3A_488 : vector<1x16xf32> to vector<16xf32>
        %add3A_490 = arith.addf %add3A_483, %get3A_489 : vector<16xf32>
        %add3A_491 = arith.constant 320 : i32
        %add3A_492 = arith.addi %add3A_491, %scan3A_390 : i32
        %get3A_493 = arith.index_cast %add3A_492 : i32 to index
        %get3A_494 = arith.constant 48 : index
        %get3A_495 = tpu.vector_load %arg11[%get3A_493, %get3A_494] {strides = array<i32>} : memref<480x64xf32, #tpu.memory_space<vmem>>, vector<1x16xf32>,
        %get3A_496 = vector.shape_cast %get3A_495 : vector<1x16xf32> to vector<16xf32>
        %add3A_497 = arith.addf %add3A_490, %get3A_496 : vector<16xf32>
        %swap3A_498 = arith.index_cast %scan3A_390 : i32 to index
        %swap3A_499 = arith.constant 48 : index
        %swap3A_500 = tpu.vector_load %arg12[%swap3A_498, %swap3A_499] {strides = array<i32>} : memref<160x64xf32, #tpu.memory_space<vmem>>, vector<1x16xf32>,
        %swap3A_501 = vector.shape_cast %swap3A_500 : vector<1x16xf32> to vector<16xf32>
        %swap3A_502 = vector.shape_cast %add3A_497 : vector<16xf32> to vector<1x16xf32>
        tpu.vector_store %arg12[%swap3A_498, %swap3A_499], %swap3A_502 {strides = array<i32>} : memref<160x64xf32, #tpu.memory_space<vmem>>, vector<1x16xf32>,
      }
      %scan3A_361 = arith.constant 160 : i32
      "tpu.region"() ({
        %run_scoped3A = tpu.sem_alloc : memref<!tpu.dma_semaphore, #tpu.memory_space<semaphore_mem>>
        %dma_start3A_390 = arith.constant 0 : i32
        %dma_start3A_391 = tpu.memref_slice %arg8[%add3A_349, %dma_start3A_390] : memref<819200x64xf32, #tpu.memory_space<hbm>> -> memref<160x64xf32, #tpu.memory_space<hbm>>
        %dma_start3A_392 = arith.constant 0 : i32
        %dma_start3A_393 = tpu.memref_slice %arg8[%add3A_349, %dma_start3A_392] : memref<819200x64xf32, #tpu.memory_space<hbm>> -> memref<160x64xf32, #tpu.memory_space<hbm>>
        tpu.enqueue_dma source(%arg12 : memref<160x64xf32, #tpu.memory_space<vmem>>) target(%dma_start3A_393 : memref<160x64xf32, #tpu.memory_space<hbm>>) target_semaphore(%run_scoped3A : memref<!tpu.dma_semaphore, #tpu.memory_space<semaphore_mem>>)
        %dma_wait3A_394 = arith.constant 0 : i32
        %dma_wait3A_395 = tpu.memref_slice %arg8[%add3A_349, %dma_wait3A_394] : memref<819200x64xf32, #tpu.memory_space<hbm>> -> memref<160x64xf32, #tpu.memory_space<hbm>>
        %dma_wait3A_396 = arith.constant 0 : i32
        %dma_wait3A_397 = tpu.memref_slice %arg8[%add3A_349, %dma_wait3A_396] : memref<819200x64xf32, #tpu.memory_space<hbm>> -> memref<160x64xf32, #tpu.memory_space<hbm>>
        tpu.wait_dma2 semaphore(%run_scoped3A : memref<!tpu.dma_semaphore, #tpu.memory_space<semaphore_mem>>) src(%arg12 : memref<160x64xf32, #tpu.memory_space<vmem>>) dst(%dma_wait3A_397 : memref<160x64xf32, #tpu.memory_space<hbm>>)
        tpu.yield
      }) : () -> ()
      %mul3A_362 = arith.constant 2 : i32
      %mul3A_363 = arith.muli %mul3A_362, %scan3A_336 : i32
      %add3A_364 = arith.constant 1 : i32
      %add3A_365 = arith.addi %mul3A_363, %add3A_364 : i32
      %add3A_366 = arith.constant 1 : i32
      %add3A_367 = arith.addi %add3A_365, %add3A_366 : i32
      %lt3A_368 = arith.constant 160 : i32
      %lt3A_369 = arith.cmpi slt, %add3A_367, %lt3A_368 : i32
      %convert_element_type3A_370 = arith.extui %lt3A_369 : i1 to i32
      %cond3A_371 = arith.constant 0 : i32
      %cond3A_372 = arith.cmpi ne, %convert_element_type3A_370, %cond3A_371 : i32
      scf.if %cond3A_372 {
        %add3A_390 = arith.constant 1 : i32
        %add3A_391 = arith.addi %add3A_365, %add3A_390 : i32
        %mul3A_392 = arith.constant 25600 : i32
        %mul3A_393 = arith.muli %add3A, %mul3A_392 : i32
        %mul3A_394 = arith.constant 160 : i32
        %mul3A_395 = arith.muli %add3A_391, %mul3A_394 : i32
        %add3A_396 = arith.addi %mul3A_393, %mul3A_395 : i32
        "tpu.region"() ({
          %run_scoped3A = tpu.sem_alloc : memref<!tpu.dma_semaphore, #tpu.memory_space<semaphore_mem>>
          %dma_start3A_727 = tpu.memref_slice %arg2[%add3A_396] : memref<819200xi32, #tpu.memory_space<hbm>> -> memref<160xi32, #tpu.memory_space<hbm>>
          %dma_start3A_728 = tpu.memref_slice %arg2[%add3A_396] : memref<819200xi32, #tpu.memory_space<hbm>> -> memref<160xi32, #tpu.memory_space<hbm>>
          tpu.enqueue_dma source(%dma_start3A_728 : memref<160xi32, #tpu.memory_space<hbm>>) target(%arg9 : memref<160xi32, #tpu.memory_space<vmem>>) target_semaphore(%run_scoped3A : memref<!tpu.dma_semaphore, #tpu.memory_space<semaphore_mem>>)
          %dma_wait3A_729 = tpu.memref_slice %arg2[%add3A_396] : memref<819200xi32, #tpu.memory_space<hbm>> -> memref<160xi32, #tpu.memory_space<hbm>>
          %dma_wait3A_730 = tpu.memref_slice %arg2[%add3A_396] : memref<819200xi32, #tpu.memory_space<hbm>> -> memref<160xi32, #tpu.memory_space<hbm>>
          tpu.wait_dma2 semaphore(%run_scoped3A : memref<!tpu.dma_semaphore, #tpu.memory_space<semaphore_mem>>) src(%dma_wait3A_730 : memref<160xi32, #tpu.memory_space<hbm>>) dst(%arg9 : memref<160xi32, #tpu.memory_space<vmem>>)
          tpu.yield
        }) : () -> ()
        %dma_start3A_397 = arith.constant 0 : i32
        %dma_start3A_398 = arith.constant 0 : i32
        %dma_start3A_399 = tpu.memref_slice %arg7[%dma_start3A_397, %dma_start3A_398] : memref<1000001x64xf32, #tpu.memory_space<hbm>> -> memref<1000001x64xf32, #tpu.memory_space<hbm>>
        tpu.enqueue_indirect_dma source(%dma_start3A_399 : memref<1000001x64xf32, #tpu.memory_space<hbm>>) target(%arg12 : memref<160x64xf32, #tpu.memory_space<vmem>>) offsets(%arg9 : memref<160xi32, #tpu.memory_space<vmem>>) semaphore(%arg18 : memref<!tpu.dma_semaphore, #tpu.memory_space<semaphore_mem>>)
        %dma_start3A_400 = arith.constant 0 : i32
        %dma_start3A_401 = tpu.memref_slice %arg10[%dma_start3A_400] : memref<480xi32, #tpu.memory_space<vmem>> -> memref<160xi32, #tpu.memory_space<vmem>>
        %dma_start3A_402 = arith.constant 0 : i32
        %dma_start3A_403 = tpu.memref_slice %arg3[%dma_start3A_402] : memref<1000001xi32, #tpu.memory_space<hbm>> -> memref<1000001xi32, #tpu.memory_space<hbm>>
        tpu.enqueue_indirect_dma source(%dma_start3A_403 : memref<1000001xi32, #tpu.memory_space<hbm>>) target(%dma_start3A_401 : memref<160xi32, #tpu.memory_space<vmem>>) offsets(%arg9 : memref<160xi32, #tpu.memory_space<vmem>>) semaphore(%arg17 : memref<!tpu.dma_semaphore, #tpu.memory_space<semaphore_mem>>)
        %dma_start3A_404 = arith.constant 160 : i32
        %dma_start3A_405 = tpu.memref_slice %arg10[%dma_start3A_404] : memref<480xi32, #tpu.memory_space<vmem>> -> memref<160xi32, #tpu.memory_space<vmem>>
        %dma_start3A_406 = arith.constant 0 : i32
        %dma_start3A_407 = tpu.memref_slice %arg4[%dma_start3A_406] : memref<1000001xi32, #tpu.memory_space<hbm>> -> memref<1000001xi32, #tpu.memory_space<hbm>>
        tpu.enqueue_indirect_dma source(%dma_start3A_407 : memref<1000001xi32, #tpu.memory_space<hbm>>) target(%dma_start3A_405 : memref<160xi32, #tpu.memory_space<vmem>>) offsets(%arg9 : memref<160xi32, #tpu.memory_space<vmem>>) semaphore(%arg17 : memref<!tpu.dma_semaphore, #tpu.memory_space<semaphore_mem>>)
        %dma_start3A_408 = arith.constant 320 : i32
        %dma_start3A_409 = tpu.memref_slice %arg10[%dma_start3A_408] : memref<480xi32, #tpu.memory_space<vmem>> -> memref<160xi32, #tpu.memory_space<vmem>>
        %dma_start3A_410 = arith.constant 0 : i32
        %dma_start3A_411 = tpu.memref_slice %arg5[%dma_start3A_410] : memref<1000001xi32, #tpu.memory_space<hbm>> -> memref<1000001xi32, #tpu.memory_space<hbm>>
        tpu.enqueue_indirect_dma source(%dma_start3A_411 : memref<1000001xi32, #tpu.memory_space<hbm>>) target(%dma_start3A_409 : memref<160xi32, #tpu.memory_space<vmem>>) offsets(%arg9 : memref<160xi32, #tpu.memory_space<vmem>>) semaphore(%arg17 : memref<!tpu.dma_semaphore, #tpu.memory_space<semaphore_mem>>)
        %dma_wait3A_412 = arith.constant 0 : i32
        %dma_wait3A_413 = tpu.memref_slice %arg10[%dma_wait3A_412] : memref<480xi32, #tpu.memory_space<vmem>> -> memref<160xi32, #tpu.memory_space<vmem>>
        %dma_wait3A_414 = arith.constant 0 : i32
        %dma_wait3A_415 = tpu.memref_slice %arg3[%dma_wait3A_414] : memref<1000001xi32, #tpu.memory_space<hbm>> -> memref<1000001xi32, #tpu.memory_space<hbm>>
        tpu.wait_indirect_dma semaphore(%arg17 : memref<!tpu.dma_semaphore, #tpu.memory_space<semaphore_mem>>) src(%dma_wait3A_415 : memref<1000001xi32, #tpu.memory_space<hbm>>) dst(%dma_wait3A_413 : memref<160xi32, #tpu.memory_space<vmem>>)
        %dma_wait3A_416 = arith.constant 160 : i32
        %dma_wait3A_417 = tpu.memref_slice %arg10[%dma_wait3A_416] : memref<480xi32, #tpu.memory_space<vmem>> -> memref<160xi32, #tpu.memory_space<vmem>>
        %dma_wait3A_418 = arith.constant 0 : i32
        %dma_wait3A_419 = tpu.memref_slice %arg4[%dma_wait3A_418] : memref<1000001xi32, #tpu.memory_space<hbm>> -> memref<1000001xi32, #tpu.memory_space<hbm>>
        tpu.wait_indirect_dma semaphore(%arg17 : memref<!tpu.dma_semaphore, #tpu.memory_space<semaphore_mem>>) src(%dma_wait3A_419 : memref<1000001xi32, #tpu.memory_space<hbm>>) dst(%dma_wait3A_417 : memref<160xi32, #tpu.memory_space<vmem>>)
        %dma_wait3A_420 = arith.constant 320 : i32
        %dma_wait3A_421 = tpu.memref_slice %arg10[%dma_wait3A_420] : memref<480xi32, #tpu.memory_space<vmem>> -> memref<160xi32, #tpu.memory_space<vmem>>
        %dma_wait3A_422 = arith.constant 0 : i32
        %dma_wait3A_423 = tpu.memref_slice %arg5[%dma_wait3A_422] : memref<1000001xi32, #tpu.memory_space<hbm>> -> memref<1000001xi32, #tpu.memory_space<hbm>>
        tpu.wait_indirect_dma semaphore(%arg17 : memref<!tpu.dma_semaphore, #tpu.memory_space<semaphore_mem>>) src(%dma_wait3A_423 : memref<1000001xi32, #tpu.memory_space<hbm>>) dst(%dma_wait3A_421 : memref<160xi32, #tpu.memory_space<vmem>>)
        %get3A_424 = arith.constant 0 : index
        %get3A_425 = tpu.vector_load %arg10[%get3A_424] {strides = array<i32>} : memref<480xi32, #tpu.memory_space<vmem>>, vector<16xi32>,
        %get3A_426 = vector.shape_cast %get3A_425 : vector<16xi32> to vector<16xi32>
        %add3A_427 = arith.constant 1 : i32
        %add3A_428 = vector.broadcast %add3A_427 : i32 to vector<16xi32>
        %add3A_429 = arith.addi %get3A_426, %add3A_428 : vector<16xi32>
        %swap3A_430 = arith.constant 0 : index
        %swap3A_431 = tpu.vector_load %arg10[%swap3A_430] {strides = array<i32>} : memref<480xi32, #tpu.memory_space<vmem>>, vector<16xi32>,
        %swap3A_432 = vector.shape_cast %swap3A_431 : vector<16xi32> to vector<16xi32>
        %swap3A_433 = vector.shape_cast %add3A_429 : vector<16xi32> to vector<16xi32>
        tpu.vector_store %arg10[%swap3A_430], %swap3A_433 {strides = array<i32>} : memref<480xi32, #tpu.memory_space<vmem>>, vector<16xi32>,
        %get3A_434 = arith.constant 16 : index
        %get3A_435 = tpu.vector_load %arg10[%get3A_434] {strides = array<i32>} : memref<480xi32, #tpu.memory_space<vmem>>, vector<16xi32>,
        %get3A_436 = vector.shape_cast %get3A_435 : vector<16xi32> to vector<16xi32>
        %add3A_437 = arith.constant 1 : i32
        %add3A_438 = vector.broadcast %add3A_437 : i32 to vector<16xi32>
        %add3A_439 = arith.addi %get3A_436, %add3A_438 : vector<16xi32>
        %swap3A_440 = arith.constant 16 : index
        %swap3A_441 = tpu.vector_load %arg10[%swap3A_440] {strides = array<i32>} : memref<480xi32, #tpu.memory_space<vmem>>, vector<16xi32>,
        %swap3A_442 = vector.shape_cast %swap3A_441 : vector<16xi32> to vector<16xi32>
        %swap3A_443 = vector.shape_cast %add3A_439 : vector<16xi32> to vector<16xi32>
        tpu.vector_store %arg10[%swap3A_440], %swap3A_443 {strides = array<i32>} : memref<480xi32, #tpu.memory_space<vmem>>, vector<16xi32>,
        %get3A_444 = arith.constant 32 : index
        %get3A_445 = tpu.vector_load %arg10[%get3A_444] {strides = array<i32>} : memref<480xi32, #tpu.memory_space<vmem>>, vector<16xi32>,
        %get3A_446 = vector.shape_cast %get3A_445 : vector<16xi32> to vector<16xi32>
        %add3A_447 = arith.constant 1 : i32
        %add3A_448 = vector.broadcast %add3A_447 : i32 to vector<16xi32>
        %add3A_449 = arith.addi %get3A_446, %add3A_448 : vector<16xi32>
        %swap3A_450 = arith.constant 32 : index
        %swap3A_451 = tpu.vector_load %arg10[%swap3A_450] {strides = array<i32>} : memref<480xi32, #tpu.memory_space<vmem>>, vector<16xi32>,
        %swap3A_452 = vector.shape_cast %swap3A_451 : vector<16xi32> to vector<16xi32>
        %swap3A_453 = vector.shape_cast %add3A_449 : vector<16xi32> to vector<16xi32>
        tpu.vector_store %arg10[%swap3A_450], %swap3A_453 {strides = array<i32>} : memref<480xi32, #tpu.memory_space<vmem>>, vector<16xi32>,
        %get3A_454 = arith.constant 48 : index
        %get3A_455 = tpu.vector_load %arg10[%get3A_454] {strides = array<i32>} : memref<480xi32, #tpu.memory_space<vmem>>, vector<16xi32>,
        %get3A_456 = vector.shape_cast %get3A_455 : vector<16xi32> to vector<16xi32>
        %add3A_457 = arith.constant 1 : i32
        %add3A_458 = vector.broadcast %add3A_457 : i32 to vector<16xi32>
        %add3A_459 = arith.addi %get3A_456, %add3A_458 : vector<16xi32>
        %swap3A_460 = arith.constant 48 : index
        %swap3A_461 = tpu.vector_load %arg10[%swap3A_460] {strides = array<i32>} : memref<480xi32, #tpu.memory_space<vmem>>, vector<16xi32>,
        %swap3A_462 = vector.shape_cast %swap3A_461 : vector<16xi32> to vector<16xi32>
        %swap3A_463 = vector.shape_cast %add3A_459 : vector<16xi32> to vector<16xi32>
        tpu.vector_store %arg10[%swap3A_460], %swap3A_463 {strides = array<i32>} : memref<480xi32, #tpu.memory_space<vmem>>, vector<16xi32>,
        %get3A_464 = arith.constant 64 : index
        %get3A_465 = tpu.vector_load %arg10[%get3A_464] {strides = array<i32>} : memref<480xi32, #tpu.memory_space<vmem>>, vector<16xi32>,
        %get3A_466 = vector.shape_cast %get3A_465 : vector<16xi32> to vector<16xi32>
        %add3A_467 = arith.constant 1 : i32
        %add3A_468 = vector.broadcast %add3A_467 : i32 to vector<16xi32>
        %add3A_469 = arith.addi %get3A_466, %add3A_468 : vector<16xi32>
        %swap3A_470 = arith.constant 64 : index
        %swap3A_471 = tpu.vector_load %arg10[%swap3A_470] {strides = array<i32>} : memref<480xi32, #tpu.memory_space<vmem>>, vector<16xi32>,
        %swap3A_472 = vector.shape_cast %swap3A_471 : vector<16xi32> to vector<16xi32>
        %swap3A_473 = vector.shape_cast %add3A_469 : vector<16xi32> to vector<16xi32>
        tpu.vector_store %arg10[%swap3A_470], %swap3A_473 {strides = array<i32>} : memref<480xi32, #tpu.memory_space<vmem>>, vector<16xi32>,
        %get3A_474 = arith.constant 80 : index
        %get3A_475 = tpu.vector_load %arg10[%get3A_474] {strides = array<i32>} : memref<480xi32, #tpu.memory_space<vmem>>, vector<16xi32>,
        %get3A_476 = vector.shape_cast %get3A_475 : vector<16xi32> to vector<16xi32>
        %add3A_477 = arith.constant 1 : i32
        %add3A_478 = vector.broadcast %add3A_477 : i32 to vector<16xi32>
        %add3A_479 = arith.addi %get3A_476, %add3A_478 : vector<16xi32>
        %swap3A_480 = arith.constant 80 : index
        %swap3A_481 = tpu.vector_load %arg10[%swap3A_480] {strides = array<i32>} : memref<480xi32, #tpu.memory_space<vmem>>, vector<16xi32>,
        %swap3A_482 = vector.shape_cast %swap3A_481 : vector<16xi32> to vector<16xi32>
        %swap3A_483 = vector.shape_cast %add3A_479 : vector<16xi32> to vector<16xi32>
        tpu.vector_store %arg10[%swap3A_480], %swap3A_483 {strides = array<i32>} : memref<480xi32, #tpu.memory_space<vmem>>, vector<16xi32>,
        %get3A_484 = arith.constant 96 : index
        %get3A_485 = tpu.vector_load %arg10[%get3A_484] {strides = array<i32>} : memref<480xi32, #tpu.memory_space<vmem>>, vector<16xi32>,
        %get3A_486 = vector.shape_cast %get3A_485 : vector<16xi32> to vector<16xi32>
        %add3A_487 = arith.constant 1 : i32
        %add3A_488 = vector.broadcast %add3A_487 : i32 to vector<16xi32>
        %add3A_489 = arith.addi %get3A_486, %add3A_488 : vector<16xi32>
        %swap3A_490 = arith.constant 96 : index
        %swap3A_491 = tpu.vector_load %arg10[%swap3A_490] {strides = array<i32>} : memref<480xi32, #tpu.memory_space<vmem>>, vector<16xi32>,
        %swap3A_492 = vector.shape_cast %swap3A_491 : vector<16xi32> to vector<16xi32>
        %swap3A_493 = vector.shape_cast %add3A_489 : vector<16xi32> to vector<16xi32>
        tpu.vector_store %arg10[%swap3A_490], %swap3A_493 {strides = array<i32>} : memref<480xi32, #tpu.memory_space<vmem>>, vector<16xi32>,
        %get3A_494 = arith.constant 112 : index
        %get3A_495 = tpu.vector_load %arg10[%get3A_494] {strides = array<i32>} : memref<480xi32, #tpu.memory_space<vmem>>, vector<16xi32>,
        %get3A_496 = vector.shape_cast %get3A_495 : vector<16xi32> to vector<16xi32>
        %add3A_497 = arith.constant 1 : i32
        %add3A_498 = vector.broadcast %add3A_497 : i32 to vector<16xi32>
        %add3A_499 = arith.addi %get3A_496, %add3A_498 : vector<16xi32>
        %swap3A_500 = arith.constant 112 : index
        %swap3A_501 = tpu.vector_load %arg10[%swap3A_500] {strides = array<i32>} : memref<480xi32, #tpu.memory_space<vmem>>, vector<16xi32>,
        %swap3A_502 = vector.shape_cast %swap3A_501 : vector<16xi32> to vector<16xi32>
        %swap3A_503 = vector.shape_cast %add3A_499 : vector<16xi32> to vector<16xi32>
        tpu.vector_store %arg10[%swap3A_500], %swap3A_503 {strides = array<i32>} : memref<480xi32, #tpu.memory_space<vmem>>, vector<16xi32>,
        %get3A_504 = arith.constant 128 : index
        %get3A_505 = tpu.vector_load %arg10[%get3A_504] {strides = array<i32>} : memref<480xi32, #tpu.memory_space<vmem>>, vector<16xi32>,
        %get3A_506 = vector.shape_cast %get3A_505 : vector<16xi32> to vector<16xi32>
        %add3A_507 = arith.constant 1 : i32
        %add3A_508 = vector.broadcast %add3A_507 : i32 to vector<16xi32>
        %add3A_509 = arith.addi %get3A_506, %add3A_508 : vector<16xi32>
        %swap3A_510 = arith.constant 128 : index
        %swap3A_511 = tpu.vector_load %arg10[%swap3A_510] {strides = array<i32>} : memref<480xi32, #tpu.memory_space<vmem>>, vector<16xi32>,
        %swap3A_512 = vector.shape_cast %swap3A_511 : vector<16xi32> to vector<16xi32>
        %swap3A_513 = vector.shape_cast %add3A_509 : vector<16xi32> to vector<16xi32>
        tpu.vector_store %arg10[%swap3A_510], %swap3A_513 {strides = array<i32>} : memref<480xi32, #tpu.memory_space<vmem>>, vector<16xi32>,
        %get3A_514 = arith.constant 144 : index
        %get3A_515 = tpu.vector_load %arg10[%get3A_514] {strides = array<i32>} : memref<480xi32, #tpu.memory_space<vmem>>, vector<16xi32>,
        %get3A_516 = vector.shape_cast %get3A_515 : vector<16xi32> to vector<16xi32>
        %add3A_517 = arith.constant 1 : i32
        %add3A_518 = vector.broadcast %add3A_517 : i32 to vector<16xi32>
        %add3A_519 = arith.addi %get3A_516, %add3A_518 : vector<16xi32>
        %swap3A_520 = arith.constant 144 : index
        %swap3A_521 = tpu.vector_load %arg10[%swap3A_520] {strides = array<i32>} : memref<480xi32, #tpu.memory_space<vmem>>, vector<16xi32>,
        %swap3A_522 = vector.shape_cast %swap3A_521 : vector<16xi32> to vector<16xi32>
        %swap3A_523 = vector.shape_cast %add3A_519 : vector<16xi32> to vector<16xi32>
        tpu.vector_store %arg10[%swap3A_520], %swap3A_523 {strides = array<i32>} : memref<480xi32, #tpu.memory_space<vmem>>, vector<16xi32>,
        %get3A_524 = arith.constant 160 : index
        %get3A_525 = tpu.vector_load %arg10[%get3A_524] {strides = array<i32>} : memref<480xi32, #tpu.memory_space<vmem>>, vector<16xi32>,
        %get3A_526 = vector.shape_cast %get3A_525 : vector<16xi32> to vector<16xi32>
        %add3A_527 = arith.constant 1025 : i32
        %add3A_528 = vector.broadcast %add3A_527 : i32 to vector<16xi32>
        %add3A_529 = arith.addi %get3A_526, %add3A_528 : vector<16xi32>
        %swap3A_530 = arith.constant 160 : index
        %swap3A_531 = tpu.vector_load %arg10[%swap3A_530] {strides = array<i32>} : memref<480xi32, #tpu.memory_space<vmem>>, vector<16xi32>,
        %swap3A_532 = vector.shape_cast %swap3A_531 : vector<16xi32> to vector<16xi32>
        %swap3A_533 = vector.shape_cast %add3A_529 : vector<16xi32> to vector<16xi32>
        tpu.vector_store %arg10[%swap3A_530], %swap3A_533 {strides = array<i32>} : memref<480xi32, #tpu.memory_space<vmem>>, vector<16xi32>,
        %get3A_534 = arith.constant 176 : index
        %get3A_535 = tpu.vector_load %arg10[%get3A_534] {strides = array<i32>} : memref<480xi32, #tpu.memory_space<vmem>>, vector<16xi32>,
        %get3A_536 = vector.shape_cast %get3A_535 : vector<16xi32> to vector<16xi32>
        %add3A_537 = arith.constant 1025 : i32
        %add3A_538 = vector.broadcast %add3A_537 : i32 to vector<16xi32>
        %add3A_539 = arith.addi %get3A_536, %add3A_538 : vector<16xi32>
        %swap3A_540 = arith.constant 176 : index
        %swap3A_541 = tpu.vector_load %arg10[%swap3A_540] {strides = array<i32>} : memref<480xi32, #tpu.memory_space<vmem>>, vector<16xi32>,
        %swap3A_542 = vector.shape_cast %swap3A_541 : vector<16xi32> to vector<16xi32>
        %swap3A_543 = vector.shape_cast %add3A_539 : vector<16xi32> to vector<16xi32>
        tpu.vector_store %arg10[%swap3A_540], %swap3A_543 {strides = array<i32>} : memref<480xi32, #tpu.memory_space<vmem>>, vector<16xi32>,
        %get3A_544 = arith.constant 192 : index
        %get3A_545 = tpu.vector_load %arg10[%get3A_544] {strides = array<i32>} : memref<480xi32, #tpu.memory_space<vmem>>, vector<16xi32>,
        %get3A_546 = vector.shape_cast %get3A_545 : vector<16xi32> to vector<16xi32>
        %add3A_547 = arith.constant 1025 : i32
        %add3A_548 = vector.broadcast %add3A_547 : i32 to vector<16xi32>
        %add3A_549 = arith.addi %get3A_546, %add3A_548 : vector<16xi32>
        %swap3A_550 = arith.constant 192 : index
        %swap3A_551 = tpu.vector_load %arg10[%swap3A_550] {strides = array<i32>} : memref<480xi32, #tpu.memory_space<vmem>>, vector<16xi32>,
        %swap3A_552 = vector.shape_cast %swap3A_551 : vector<16xi32> to vector<16xi32>
        %swap3A_553 = vector.shape_cast %add3A_549 : vector<16xi32> to vector<16xi32>
        tpu.vector_store %arg10[%swap3A_550], %swap3A_553 {strides = array<i32>} : memref<480xi32, #tpu.memory_space<vmem>>, vector<16xi32>,
        %get3A_554 = arith.constant 208 : index
        %get3A_555 = tpu.vector_load %arg10[%get3A_554] {strides = array<i32>} : memref<480xi32, #tpu.memory_space<vmem>>, vector<16xi32>,
        %get3A_556 = vector.shape_cast %get3A_555 : vector<16xi32> to vector<16xi32>
        %add3A_557 = arith.constant 1025 : i32
        %add3A_558 = vector.broadcast %add3A_557 : i32 to vector<16xi32>
        %add3A_559 = arith.addi %get3A_556, %add3A_558 : vector<16xi32>
        %swap3A_560 = arith.constant 208 : index
        %swap3A_561 = tpu.vector_load %arg10[%swap3A_560] {strides = array<i32>} : memref<480xi32, #tpu.memory_space<vmem>>, vector<16xi32>,
        %swap3A_562 = vector.shape_cast %swap3A_561 : vector<16xi32> to vector<16xi32>
        %swap3A_563 = vector.shape_cast %add3A_559 : vector<16xi32> to vector<16xi32>
        tpu.vector_store %arg10[%swap3A_560], %swap3A_563 {strides = array<i32>} : memref<480xi32, #tpu.memory_space<vmem>>, vector<16xi32>,
        %get3A_564 = arith.constant 224 : index
        %get3A_565 = tpu.vector_load %arg10[%get3A_564] {strides = array<i32>} : memref<480xi32, #tpu.memory_space<vmem>>, vector<16xi32>,
        %get3A_566 = vector.shape_cast %get3A_565 : vector<16xi32> to vector<16xi32>
        %add3A_567 = arith.constant 1025 : i32
        %add3A_568 = vector.broadcast %add3A_567 : i32 to vector<16xi32>
        %add3A_569 = arith.addi %get3A_566, %add3A_568 : vector<16xi32>
        %swap3A_570 = arith.constant 224 : index
        %swap3A_571 = tpu.vector_load %arg10[%swap3A_570] {strides = array<i32>} : memref<480xi32, #tpu.memory_space<vmem>>, vector<16xi32>,
        %swap3A_572 = vector.shape_cast %swap3A_571 : vector<16xi32> to vector<16xi32>
        %swap3A_573 = vector.shape_cast %add3A_569 : vector<16xi32> to vector<16xi32>
        tpu.vector_store %arg10[%swap3A_570], %swap3A_573 {strides = array<i32>} : memref<480xi32, #tpu.memory_space<vmem>>, vector<16xi32>,
        %get3A_574 = arith.constant 240 : index
        %get3A_575 = tpu.vector_load %arg10[%get3A_574] {strides = array<i32>} : memref<480xi32, #tpu.memory_space<vmem>>, vector<16xi32>,
        %get3A_576 = vector.shape_cast %get3A_575 : vector<16xi32> to vector<16xi32>
        %add3A_577 = arith.constant 1025 : i32
        %add3A_578 = vector.broadcast %add3A_577 : i32 to vector<16xi32>
        %add3A_579 = arith.addi %get3A_576, %add3A_578 : vector<16xi32>
        %swap3A_580 = arith.constant 240 : index
        %swap3A_581 = tpu.vector_load %arg10[%swap3A_580] {strides = array<i32>} : memref<480xi32, #tpu.memory_space<vmem>>, vector<16xi32>,
        %swap3A_582 = vector.shape_cast %swap3A_581 : vector<16xi32> to vector<16xi32>
        %swap3A_583 = vector.shape_cast %add3A_579 : vector<16xi32> to vector<16xi32>
        tpu.vector_store %arg10[%swap3A_580], %swap3A_583 {strides = array<i32>} : memref<480xi32, #tpu.memory_space<vmem>>, vector<16xi32>,
        %get3A_584 = arith.constant 256 : index
        %get3A_585 = tpu.vector_load %arg10[%get3A_584] {strides = array<i32>} : memref<480xi32, #tpu.memory_space<vmem>>, vector<16xi32>,
        %get3A_586 = vector.shape_cast %get3A_585 : vector<16xi32> to vector<16xi32>
        %add3A_587 = arith.constant 1025 : i32
        %add3A_588 = vector.broadcast %add3A_587 : i32 to vector<16xi32>
        %add3A_589 = arith.addi %get3A_586, %add3A_588 : vector<16xi32>
        %swap3A_590 = arith.constant 256 : index
        %swap3A_591 = tpu.vector_load %arg10[%swap3A_590] {strides = array<i32>} : memref<480xi32, #tpu.memory_space<vmem>>, vector<16xi32>,
        %swap3A_592 = vector.shape_cast %swap3A_591 : vector<16xi32> to vector<16xi32>
        %swap3A_593 = vector.shape_cast %add3A_589 : vector<16xi32> to vector<16xi32>
        tpu.vector_store %arg10[%swap3A_590], %swap3A_593 {strides = array<i32>} : memref<480xi32, #tpu.memory_space<vmem>>, vector<16xi32>,
        %get3A_594 = arith.constant 272 : index
        %get3A_595 = tpu.vector_load %arg10[%get3A_594] {strides = array<i32>} : memref<480xi32, #tpu.memory_space<vmem>>, vector<16xi32>,
        %get3A_596 = vector.shape_cast %get3A_595 : vector<16xi32> to vector<16xi32>
        %add3A_597 = arith.constant 1025 : i32
        %add3A_598 = vector.broadcast %add3A_597 : i32 to vector<16xi32>
        %add3A_599 = arith.addi %get3A_596, %add3A_598 : vector<16xi32>
        %swap3A_600 = arith.constant 272 : index
        %swap3A_601 = tpu.vector_load %arg10[%swap3A_600] {strides = array<i32>} : memref<480xi32, #tpu.memory_space<vmem>>, vector<16xi32>,
        %swap3A_602 = vector.shape_cast %swap3A_601 : vector<16xi32> to vector<16xi32>
        %swap3A_603 = vector.shape_cast %add3A_599 : vector<16xi32> to vector<16xi32>
        tpu.vector_store %arg10[%swap3A_600], %swap3A_603 {strides = array<i32>} : memref<480xi32, #tpu.memory_space<vmem>>, vector<16xi32>,
        %get3A_604 = arith.constant 288 : index
        %get3A_605 = tpu.vector_load %arg10[%get3A_604] {strides = array<i32>} : memref<480xi32, #tpu.memory_space<vmem>>, vector<16xi32>,
        %get3A_606 = vector.shape_cast %get3A_605 : vector<16xi32> to vector<16xi32>
        %add3A_607 = arith.constant 1025 : i32
        %add3A_608 = vector.broadcast %add3A_607 : i32 to vector<16xi32>
        %add3A_609 = arith.addi %get3A_606, %add3A_608 : vector<16xi32>
        %swap3A_610 = arith.constant 288 : index
        %swap3A_611 = tpu.vector_load %arg10[%swap3A_610] {strides = array<i32>} : memref<480xi32, #tpu.memory_space<vmem>>, vector<16xi32>,
        %swap3A_612 = vector.shape_cast %swap3A_611 : vector<16xi32> to vector<16xi32>
        %swap3A_613 = vector.shape_cast %add3A_609 : vector<16xi32> to vector<16xi32>
        tpu.vector_store %arg10[%swap3A_610], %swap3A_613 {strides = array<i32>} : memref<480xi32, #tpu.memory_space<vmem>>, vector<16xi32>,
        %get3A_614 = arith.constant 304 : index
        %get3A_615 = tpu.vector_load %arg10[%get3A_614] {strides = array<i32>} : memref<480xi32, #tpu.memory_space<vmem>>, vector<16xi32>,
        %get3A_616 = vector.shape_cast %get3A_615 : vector<16xi32> to vector<16xi32>
        %add3A_617 = arith.constant 1025 : i32
        %add3A_618 = vector.broadcast %add3A_617 : i32 to vector<16xi32>
        %add3A_619 = arith.addi %get3A_616, %add3A_618 : vector<16xi32>
        %swap3A_620 = arith.constant 304 : index
        %swap3A_621 = tpu.vector_load %arg10[%swap3A_620] {strides = array<i32>} : memref<480xi32, #tpu.memory_space<vmem>>, vector<16xi32>,
        %swap3A_622 = vector.shape_cast %swap3A_621 : vector<16xi32> to vector<16xi32>
        %swap3A_623 = vector.shape_cast %add3A_619 : vector<16xi32> to vector<16xi32>
        tpu.vector_store %arg10[%swap3A_620], %swap3A_623 {strides = array<i32>} : memref<480xi32, #tpu.memory_space<vmem>>, vector<16xi32>,
        %get3A_624 = arith.constant 320 : index
        %get3A_625 = tpu.vector_load %arg10[%get3A_624] {strides = array<i32>} : memref<480xi32, #tpu.memory_space<vmem>>, vector<16xi32>,
        %get3A_626 = vector.shape_cast %get3A_625 : vector<16xi32> to vector<16xi32>
        %add3A_627 = arith.constant 2049 : i32
        %add3A_628 = vector.broadcast %add3A_627 : i32 to vector<16xi32>
        %add3A_629 = arith.addi %get3A_626, %add3A_628 : vector<16xi32>
        %swap3A_630 = arith.constant 320 : index
        %swap3A_631 = tpu.vector_load %arg10[%swap3A_630] {strides = array<i32>} : memref<480xi32, #tpu.memory_space<vmem>>, vector<16xi32>,
        %swap3A_632 = vector.shape_cast %swap3A_631 : vector<16xi32> to vector<16xi32>
        %swap3A_633 = vector.shape_cast %add3A_629 : vector<16xi32> to vector<16xi32>
        tpu.vector_store %arg10[%swap3A_630], %swap3A_633 {strides = array<i32>} : memref<480xi32, #tpu.memory_space<vmem>>, vector<16xi32>,
        %get3A_634 = arith.constant 336 : index
        %get3A_635 = tpu.vector_load %arg10[%get3A_634] {strides = array<i32>} : memref<480xi32, #tpu.memory_space<vmem>>, vector<16xi32>,
        %get3A_636 = vector.shape_cast %get3A_635 : vector<16xi32> to vector<16xi32>
        %add3A_637 = arith.constant 2049 : i32
        %add3A_638 = vector.broadcast %add3A_637 : i32 to vector<16xi32>
        %add3A_639 = arith.addi %get3A_636, %add3A_638 : vector<16xi32>
        %swap3A_640 = arith.constant 336 : index
        %swap3A_641 = tpu.vector_load %arg10[%swap3A_640] {strides = array<i32>} : memref<480xi32, #tpu.memory_space<vmem>>, vector<16xi32>,
        %swap3A_642 = vector.shape_cast %swap3A_641 : vector<16xi32> to vector<16xi32>
        %swap3A_643 = vector.shape_cast %add3A_639 : vector<16xi32> to vector<16xi32>
        tpu.vector_store %arg10[%swap3A_640], %swap3A_643 {strides = array<i32>} : memref<480xi32, #tpu.memory_space<vmem>>, vector<16xi32>,
        %get3A_644 = arith.constant 352 : index
        %get3A_645 = tpu.vector_load %arg10[%get3A_644] {strides = array<i32>} : memref<480xi32, #tpu.memory_space<vmem>>, vector<16xi32>,
        %get3A_646 = vector.shape_cast %get3A_645 : vector<16xi32> to vector<16xi32>
        %add3A_647 = arith.constant 2049 : i32
        %add3A_648 = vector.broadcast %add3A_647 : i32 to vector<16xi32>
        %add3A_649 = arith.addi %get3A_646, %add3A_648 : vector<16xi32>
        %swap3A_650 = arith.constant 352 : index
        %swap3A_651 = tpu.vector_load %arg10[%swap3A_650] {strides = array<i32>} : memref<480xi32, #tpu.memory_space<vmem>>, vector<16xi32>,
        %swap3A_652 = vector.shape_cast %swap3A_651 : vector<16xi32> to vector<16xi32>
        %swap3A_653 = vector.shape_cast %add3A_649 : vector<16xi32> to vector<16xi32>
        tpu.vector_store %arg10[%swap3A_650], %swap3A_653 {strides = array<i32>} : memref<480xi32, #tpu.memory_space<vmem>>, vector<16xi32>,
        %get3A_654 = arith.constant 368 : index
        %get3A_655 = tpu.vector_load %arg10[%get3A_654] {strides = array<i32>} : memref<480xi32, #tpu.memory_space<vmem>>, vector<16xi32>,
        %get3A_656 = vector.shape_cast %get3A_655 : vector<16xi32> to vector<16xi32>
        %add3A_657 = arith.constant 2049 : i32
        %add3A_658 = vector.broadcast %add3A_657 : i32 to vector<16xi32>
        %add3A_659 = arith.addi %get3A_656, %add3A_658 : vector<16xi32>
        %swap3A_660 = arith.constant 368 : index
        %swap3A_661 = tpu.vector_load %arg10[%swap3A_660] {strides = array<i32>} : memref<480xi32, #tpu.memory_space<vmem>>, vector<16xi32>,
        %swap3A_662 = vector.shape_cast %swap3A_661 : vector<16xi32> to vector<16xi32>
        %swap3A_663 = vector.shape_cast %add3A_659 : vector<16xi32> to vector<16xi32>
        tpu.vector_store %arg10[%swap3A_660], %swap3A_663 {strides = array<i32>} : memref<480xi32, #tpu.memory_space<vmem>>, vector<16xi32>,
        %get3A_664 = arith.constant 384 : index
        %get3A_665 = tpu.vector_load %arg10[%get3A_664] {strides = array<i32>} : memref<480xi32, #tpu.memory_space<vmem>>, vector<16xi32>,
        %get3A_666 = vector.shape_cast %get3A_665 : vector<16xi32> to vector<16xi32>
        %add3A_667 = arith.constant 2049 : i32
        %add3A_668 = vector.broadcast %add3A_667 : i32 to vector<16xi32>
        %add3A_669 = arith.addi %get3A_666, %add3A_668 : vector<16xi32>
        %swap3A_670 = arith.constant 384 : index
        %swap3A_671 = tpu.vector_load %arg10[%swap3A_670] {strides = array<i32>} : memref<480xi32, #tpu.memory_space<vmem>>, vector<16xi32>,
        %swap3A_672 = vector.shape_cast %swap3A_671 : vector<16xi32> to vector<16xi32>
        %swap3A_673 = vector.shape_cast %add3A_669 : vector<16xi32> to vector<16xi32>
        tpu.vector_store %arg10[%swap3A_670], %swap3A_673 {strides = array<i32>} : memref<480xi32, #tpu.memory_space<vmem>>, vector<16xi32>,
        %get3A_674 = arith.constant 400 : index
        %get3A_675 = tpu.vector_load %arg10[%get3A_674] {strides = array<i32>} : memref<480xi32, #tpu.memory_space<vmem>>, vector<16xi32>,
        %get3A_676 = vector.shape_cast %get3A_675 : vector<16xi32> to vector<16xi32>
        %add3A_677 = arith.constant 2049 : i32
        %add3A_678 = vector.broadcast %add3A_677 : i32 to vector<16xi32>
        %add3A_679 = arith.addi %get3A_676, %add3A_678 : vector<16xi32>
        %swap3A_680 = arith.constant 400 : index
        %swap3A_681 = tpu.vector_load %arg10[%swap3A_680] {strides = array<i32>} : memref<480xi32, #tpu.memory_space<vmem>>, vector<16xi32>,
        %swap3A_682 = vector.shape_cast %swap3A_681 : vector<16xi32> to vector<16xi32>
        %swap3A_683 = vector.shape_cast %add3A_679 : vector<16xi32> to vector<16xi32>
        tpu.vector_store %arg10[%swap3A_680], %swap3A_683 {strides = array<i32>} : memref<480xi32, #tpu.memory_space<vmem>>, vector<16xi32>,
        %get3A_684 = arith.constant 416 : index
        %get3A_685 = tpu.vector_load %arg10[%get3A_684] {strides = array<i32>} : memref<480xi32, #tpu.memory_space<vmem>>, vector<16xi32>,
        %get3A_686 = vector.shape_cast %get3A_685 : vector<16xi32> to vector<16xi32>
        %add3A_687 = arith.constant 2049 : i32
        %add3A_688 = vector.broadcast %add3A_687 : i32 to vector<16xi32>
        %add3A_689 = arith.addi %get3A_686, %add3A_688 : vector<16xi32>
        %swap3A_690 = arith.constant 416 : index
        %swap3A_691 = tpu.vector_load %arg10[%swap3A_690] {strides = array<i32>} : memref<480xi32, #tpu.memory_space<vmem>>, vector<16xi32>,
        %swap3A_692 = vector.shape_cast %swap3A_691 : vector<16xi32> to vector<16xi32>
        %swap3A_693 = vector.shape_cast %add3A_689 : vector<16xi32> to vector<16xi32>
        tpu.vector_store %arg10[%swap3A_690], %swap3A_693 {strides = array<i32>} : memref<480xi32, #tpu.memory_space<vmem>>, vector<16xi32>,
        %get3A_694 = arith.constant 432 : index
        %get3A_695 = tpu.vector_load %arg10[%get3A_694] {strides = array<i32>} : memref<480xi32, #tpu.memory_space<vmem>>, vector<16xi32>,
        %get3A_696 = vector.shape_cast %get3A_695 : vector<16xi32> to vector<16xi32>
        %add3A_697 = arith.constant 2049 : i32
        %add3A_698 = vector.broadcast %add3A_697 : i32 to vector<16xi32>
        %add3A_699 = arith.addi %get3A_696, %add3A_698 : vector<16xi32>
        %swap3A_700 = arith.constant 432 : index
        %swap3A_701 = tpu.vector_load %arg10[%swap3A_700] {strides = array<i32>} : memref<480xi32, #tpu.memory_space<vmem>>, vector<16xi32>,
        %swap3A_702 = vector.shape_cast %swap3A_701 : vector<16xi32> to vector<16xi32>
        %swap3A_703 = vector.shape_cast %add3A_699 : vector<16xi32> to vector<16xi32>
        tpu.vector_store %arg10[%swap3A_700], %swap3A_703 {strides = array<i32>} : memref<480xi32, #tpu.memory_space<vmem>>, vector<16xi32>,
        %get3A_704 = arith.constant 448 : index
        %get3A_705 = tpu.vector_load %arg10[%get3A_704] {strides = array<i32>} : memref<480xi32, #tpu.memory_space<vmem>>, vector<16xi32>,
        %get3A_706 = vector.shape_cast %get3A_705 : vector<16xi32> to vector<16xi32>
        %add3A_707 = arith.constant 2049 : i32
        %add3A_708 = vector.broadcast %add3A_707 : i32 to vector<16xi32>
        %add3A_709 = arith.addi %get3A_706, %add3A_708 : vector<16xi32>
        %swap3A_710 = arith.constant 448 : index
        %swap3A_711 = tpu.vector_load %arg10[%swap3A_710] {strides = array<i32>} : memref<480xi32, #tpu.memory_space<vmem>>, vector<16xi32>,
        %swap3A_712 = vector.shape_cast %swap3A_711 : vector<16xi32> to vector<16xi32>
        %swap3A_713 = vector.shape_cast %add3A_709 : vector<16xi32> to vector<16xi32>
        tpu.vector_store %arg10[%swap3A_710], %swap3A_713 {strides = array<i32>} : memref<480xi32, #tpu.memory_space<vmem>>, vector<16xi32>,
        %get3A_714 = arith.constant 464 : index
        %get3A_715 = tpu.vector_load %arg10[%get3A_714] {strides = array<i32>} : memref<480xi32, #tpu.memory_space<vmem>>, vector<16xi32>,
        %get3A_716 = vector.shape_cast %get3A_715 : vector<16xi32> to vector<16xi32>
        %add3A_717 = arith.constant 2049 : i32
        %add3A_718 = vector.broadcast %add3A_717 : i32 to vector<16xi32>
        %add3A_719 = arith.addi %get3A_716, %add3A_718 : vector<16xi32>
        %swap3A_720 = arith.constant 464 : index
        %swap3A_721 = tpu.vector_load %arg10[%swap3A_720] {strides = array<i32>} : memref<480xi32, #tpu.memory_space<vmem>>, vector<16xi32>,
        %swap3A_722 = vector.shape_cast %swap3A_721 : vector<16xi32> to vector<16xi32>
        %swap3A_723 = vector.shape_cast %add3A_719 : vector<16xi32> to vector<16xi32>
        tpu.vector_store %arg10[%swap3A_720], %swap3A_723 {strides = array<i32>} : memref<480xi32, #tpu.memory_space<vmem>>, vector<16xi32>,
        %dma_start3A_724 = arith.constant 0 : i32
        %dma_start3A_725 = arith.constant 0 : i32
        %dma_start3A_726 = tpu.memref_slice %arg6[%dma_start3A_724, %dma_start3A_725] : memref<3073x64xf32, #tpu.memory_space<hbm>> -> memref<3073x64xf32, #tpu.memory_space<hbm>>
        tpu.enqueue_indirect_dma source(%dma_start3A_726 : memref<3073x64xf32, #tpu.memory_space<hbm>>) target(%arg11 : memref<480x64xf32, #tpu.memory_space<vmem>>) offsets(%arg10 : memref<480xi32, #tpu.memory_space<vmem>>) semaphore(%arg19 : memref<!tpu.dma_semaphore, #tpu.memory_space<semaphore_mem>>)
      } else {
      }
      %mul3A_373 = arith.constant 25600 : i32
      %mul3A_374 = arith.muli %add3A, %mul3A_373 : i32
      %mul3A_375 = arith.constant 160 : i32
      %mul3A_376 = arith.muli %add3A_365, %mul3A_375 : i32
      %add3A_377 = arith.addi %mul3A_374, %mul3A_376 : i32
      %dma_wait3A_378 = arith.constant 0 : i32
      %dma_wait3A_379 = arith.constant 0 : i32
      %dma_wait3A_380 = tpu.memref_slice %arg6[%dma_wait3A_378, %dma_wait3A_379] : memref<3073x64xf32, #tpu.memory_space<hbm>> -> memref<3073x64xf32, #tpu.memory_space<hbm>>
      tpu.wait_indirect_dma semaphore(%arg22 : memref<!tpu.dma_semaphore, #tpu.memory_space<semaphore_mem>>) src(%dma_wait3A_380 : memref<3073x64xf32, #tpu.memory_space<hbm>>) dst(%arg15 : memref<480x64xf32, #tpu.memory_space<vmem>>)
      %dma_wait3A_381 = arith.constant 0 : i32
      %dma_wait3A_382 = arith.constant 0 : i32
      %dma_wait3A_383 = tpu.memref_slice %arg7[%dma_wait3A_381, %dma_wait3A_382] : memref<1000001x64xf32, #tpu.memory_space<hbm>> -> memref<1000001x64xf32, #tpu.memory_space<hbm>>
      tpu.wait_indirect_dma semaphore(%arg21 : memref<!tpu.dma_semaphore, #tpu.memory_space<semaphore_mem>>) src(%dma_wait3A_383 : memref<1000001x64xf32, #tpu.memory_space<hbm>>) dst(%arg16 : memref<160x64xf32, #tpu.memory_space<vmem>>)
      %scan3A_384 = arith.constant 0 : i32
      %scan3A_385 = arith.constant 0 : i32
      %scan3A_386 = arith.constant 160 : i32
      %scan3A_387 = arith.addi %scan3A_385, %scan3A_386 : i32
      %scan3A_388 = arith.constant 1 : i32
      scf.for %scan3A_390 = %scan3A_385 to %scan3A_387 step %scan3A_388  : i32 {
        %get3A_391 = arith.index_cast %scan3A_390 : i32 to index
        %get3A_392 = arith.constant 0 : index
        %get3A_393 = tpu.vector_load %arg16[%get3A_391, %get3A_392] {strides = array<i32>} : memref<160x64xf32, #tpu.memory_space<vmem>>, vector<1x16xf32>,
        %get3A_394 = vector.shape_cast %get3A_393 : vector<1x16xf32> to vector<16xf32>
        %get3A_395 = arith.index_cast %scan3A_390 : i32 to index
        %get3A_396 = arith.constant 0 : index
        %get3A_397 = tpu.vector_load %arg15[%get3A_395, %get3A_396] {strides = array<i32>} : memref<480x64xf32, #tpu.memory_space<vmem>>, vector<1x16xf32>,
        %get3A_398 = vector.shape_cast %get3A_397 : vector<1x16xf32> to vector<16xf32>
        %add3A_399 = arith.addf %get3A_394, %get3A_398 : vector<16xf32>
        %add3A_400 = arith.constant 160 : i32
        %add3A_401 = arith.addi %add3A_400, %scan3A_390 : i32
        %get3A_402 = arith.index_cast %add3A_401 : i32 to index
        %get3A_403 = arith.constant 0 : index
        %get3A_404 = tpu.vector_load %arg15[%get3A_402, %get3A_403] {strides = array<i32>} : memref<480x64xf32, #tpu.memory_space<vmem>>, vector<1x16xf32>,
        %get3A_405 = vector.shape_cast %get3A_404 : vector<1x16xf32> to vector<16xf32>
        %add3A_406 = arith.addf %add3A_399, %get3A_405 : vector<16xf32>
        %add3A_407 = arith.constant 320 : i32
        %add3A_408 = arith.addi %add3A_407, %scan3A_390 : i32
        %get3A_409 = arith.index_cast %add3A_408 : i32 to index
        %get3A_410 = arith.constant 0 : index
        %get3A_411 = tpu.vector_load %arg15[%get3A_409, %get3A_410] {strides = array<i32>} : memref<480x64xf32, #tpu.memory_space<vmem>>, vector<1x16xf32>,
        %get3A_412 = vector.shape_cast %get3A_411 : vector<1x16xf32> to vector<16xf32>
        %add3A_413 = arith.addf %add3A_406, %get3A_412 : vector<16xf32>
        %swap3A_414 = arith.index_cast %scan3A_390 : i32 to index
        %swap3A_415 = arith.constant 0 : index
        %swap3A_416 = tpu.vector_load %arg16[%swap3A_414, %swap3A_415] {strides = array<i32>} : memref<160x64xf32, #tpu.memory_space<vmem>>, vector<1x16xf32>,
        %swap3A_417 = vector.shape_cast %swap3A_416 : vector<1x16xf32> to vector<16xf32>
        %swap3A_418 = vector.shape_cast %add3A_413 : vector<16xf32> to vector<1x16xf32>
        tpu.vector_store %arg16[%swap3A_414, %swap3A_415], %swap3A_418 {strides = array<i32>} : memref<160x64xf32, #tpu.memory_space<vmem>>, vector<1x16xf32>,
        %get3A_419 = arith.index_cast %scan3A_390 : i32 to index
        %get3A_420 = arith.constant 16 : index
        %get3A_421 = tpu.vector_load %arg16[%get3A_419, %get3A_420] {strides = array<i32>} : memref<160x64xf32, #tpu.memory_space<vmem>>, vector<1x16xf32>,
        %get3A_422 = vector.shape_cast %get3A_421 : vector<1x16xf32> to vector<16xf32>
        %get3A_423 = arith.index_cast %scan3A_390 : i32 to index
        %get3A_424 = arith.constant 16 : index
        %get3A_425 = tpu.vector_load %arg15[%get3A_423, %get3A_424] {strides = array<i32>} : memref<480x64xf32, #tpu.memory_space<vmem>>, vector<1x16xf32>,
        %get3A_426 = vector.shape_cast %get3A_425 : vector<1x16xf32> to vector<16xf32>
        %add3A_427 = arith.addf %get3A_422, %get3A_426 : vector<16xf32>
        %add3A_428 = arith.constant 160 : i32
        %add3A_429 = arith.addi %add3A_428, %scan3A_390 : i32
        %get3A_430 = arith.index_cast %add3A_429 : i32 to index
        %get3A_431 = arith.constant 16 : index
        %get3A_432 = tpu.vector_load %arg15[%get3A_430, %get3A_431] {strides = array<i32>} : memref<480x64xf32, #tpu.memory_space<vmem>>, vector<1x16xf32>,
        %get3A_433 = vector.shape_cast %get3A_432 : vector<1x16xf32> to vector<16xf32>
        %add3A_434 = arith.addf %add3A_427, %get3A_433 : vector<16xf32>
        %add3A_435 = arith.constant 320 : i32
        %add3A_436 = arith.addi %add3A_435, %scan3A_390 : i32
        %get3A_437 = arith.index_cast %add3A_436 : i32 to index
        %get3A_438 = arith.constant 16 : index
        %get3A_439 = tpu.vector_load %arg15[%get3A_437, %get3A_438] {strides = array<i32>} : memref<480x64xf32, #tpu.memory_space<vmem>>, vector<1x16xf32>,
        %get3A_440 = vector.shape_cast %get3A_439 : vector<1x16xf32> to vector<16xf32>
        %add3A_441 = arith.addf %add3A_434, %get3A_440 : vector<16xf32>
        %swap3A_442 = arith.index_cast %scan3A_390 : i32 to index
        %swap3A_443 = arith.constant 16 : index
        %swap3A_444 = tpu.vector_load %arg16[%swap3A_442, %swap3A_443] {strides = array<i32>} : memref<160x64xf32, #tpu.memory_space<vmem>>, vector<1x16xf32>,
        %swap3A_445 = vector.shape_cast %swap3A_444 : vector<1x16xf32> to vector<16xf32>
        %swap3A_446 = vector.shape_cast %add3A_441 : vector<16xf32> to vector<1x16xf32>
        tpu.vector_store %arg16[%swap3A_442, %swap3A_443], %swap3A_446 {strides = array<i32>} : memref<160x64xf32, #tpu.memory_space<vmem>>, vector<1x16xf32>,
        %get3A_447 = arith.index_cast %scan3A_390 : i32 to index
        %get3A_448 = arith.constant 32 : index
        %get3A_449 = tpu.vector_load %arg16[%get3A_447, %get3A_448] {strides = array<i32>} : memref<160x64xf32, #tpu.memory_space<vmem>>, vector<1x16xf32>,
        %get3A_450 = vector.shape_cast %get3A_449 : vector<1x16xf32> to vector<16xf32>
        %get3A_451 = arith.index_cast %scan3A_390 : i32 to index
        %get3A_452 = arith.constant 32 : index
        %get3A_453 = tpu.vector_load %arg15[%get3A_451, %get3A_452] {strides = array<i32>} : memref<480x64xf32, #tpu.memory_space<vmem>>, vector<1x16xf32>,
        %get3A_454 = vector.shape_cast %get3A_453 : vector<1x16xf32> to vector<16xf32>
        %add3A_455 = arith.addf %get3A_450, %get3A_454 : vector<16xf32>
        %add3A_456 = arith.constant 160 : i32
        %add3A_457 = arith.addi %add3A_456, %scan3A_390 : i32
        %get3A_458 = arith.index_cast %add3A_457 : i32 to index
        %get3A_459 = arith.constant 32 : index
        %get3A_460 = tpu.vector_load %arg15[%get3A_458, %get3A_459] {strides = array<i32>} : memref<480x64xf32, #tpu.memory_space<vmem>>, vector<1x16xf32>,
        %get3A_461 = vector.shape_cast %get3A_460 : vector<1x16xf32> to vector<16xf32>
        %add3A_462 = arith.addf %add3A_455, %get3A_461 : vector<16xf32>
        %add3A_463 = arith.constant 320 : i32
        %add3A_464 = arith.addi %add3A_463, %scan3A_390 : i32
        %get3A_465 = arith.index_cast %add3A_464 : i32 to index
        %get3A_466 = arith.constant 32 : index
        %get3A_467 = tpu.vector_load %arg15[%get3A_465, %get3A_466] {strides = array<i32>} : memref<480x64xf32, #tpu.memory_space<vmem>>, vector<1x16xf32>,
        %get3A_468 = vector.shape_cast %get3A_467 : vector<1x16xf32> to vector<16xf32>
        %add3A_469 = arith.addf %add3A_462, %get3A_468 : vector<16xf32>
        %swap3A_470 = arith.index_cast %scan3A_390 : i32 to index
        %swap3A_471 = arith.constant 32 : index
        %swap3A_472 = tpu.vector_load %arg16[%swap3A_470, %swap3A_471] {strides = array<i32>} : memref<160x64xf32, #tpu.memory_space<vmem>>, vector<1x16xf32>,
        %swap3A_473 = vector.shape_cast %swap3A_472 : vector<1x16xf32> to vector<16xf32>
        %swap3A_474 = vector.shape_cast %add3A_469 : vector<16xf32> to vector<1x16xf32>
        tpu.vector_store %arg16[%swap3A_470, %swap3A_471], %swap3A_474 {strides = array<i32>} : memref<160x64xf32, #tpu.memory_space<vmem>>, vector<1x16xf32>,
        %get3A_475 = arith.index_cast %scan3A_390 : i32 to index
        %get3A_476 = arith.constant 48 : index
        %get3A_477 = tpu.vector_load %arg16[%get3A_475, %get3A_476] {strides = array<i32>} : memref<160x64xf32, #tpu.memory_space<vmem>>, vector<1x16xf32>,
        %get3A_478 = vector.shape_cast %get3A_477 : vector<1x16xf32> to vector<16xf32>
        %get3A_479 = arith.index_cast %scan3A_390 : i32 to index
        %get3A_480 = arith.constant 48 : index
        %get3A_481 = tpu.vector_load %arg15[%get3A_479, %get3A_480] {strides = array<i32>} : memref<480x64xf32, #tpu.memory_space<vmem>>, vector<1x16xf32>,
        %get3A_482 = vector.shape_cast %get3A_481 : vector<1x16xf32> to vector<16xf32>
        %add3A_483 = arith.addf %get3A_478, %get3A_482 : vector<16xf32>
        %add3A_484 = arith.constant 160 : i32
        %add3A_485 = arith.addi %add3A_484, %scan3A_390 : i32
        %get3A_486 = arith.index_cast %add3A_485 : i32 to index
        %get3A_487 = arith.constant 48 : index
        %get3A_488 = tpu.vector_load %arg15[%get3A_486, %get3A_487] {strides = array<i32>} : memref<480x64xf32, #tpu.memory_space<vmem>>, vector<1x16xf32>,
        %get3A_489 = vector.shape_cast %get3A_488 : vector<1x16xf32> to vector<16xf32>
        %add3A_490 = arith.addf %add3A_483, %get3A_489 : vector<16xf32>
        %add3A_491 = arith.constant 320 : i32
        %add3A_492 = arith.addi %add3A_491, %scan3A_390 : i32
        %get3A_493 = arith.index_cast %add3A_492 : i32 to index
        %get3A_494 = arith.constant 48 : index
        %get3A_495 = tpu.vector_load %arg15[%get3A_493, %get3A_494] {strides = array<i32>} : memref<480x64xf32, #tpu.memory_space<vmem>>, vector<1x16xf32>,
        %get3A_496 = vector.shape_cast %get3A_495 : vector<1x16xf32> to vector<16xf32>
        %add3A_497 = arith.addf %add3A_490, %get3A_496 : vector<16xf32>
        %swap3A_498 = arith.index_cast %scan3A_390 : i32 to index
        %swap3A_499 = arith.constant 48 : index
        %swap3A_500 = tpu.vector_load %arg16[%swap3A_498, %swap3A_499] {strides = array<i32>} : memref<160x64xf32, #tpu.memory_space<vmem>>, vector<1x16xf32>,
        %swap3A_501 = vector.shape_cast %swap3A_500 : vector<1x16xf32> to vector<16xf32>
        %swap3A_502 = vector.shape_cast %add3A_497 : vector<16xf32> to vector<1x16xf32>
        tpu.vector_store %arg16[%swap3A_498, %swap3A_499], %swap3A_502 {strides = array<i32>} : memref<160x64xf32, #tpu.memory_space<vmem>>, vector<1x16xf32>,
      }
      %scan3A_389 = arith.constant 160 : i32
      "tpu.region"() ({
        %run_scoped3A = tpu.sem_alloc : memref<!tpu.dma_semaphore, #tpu.memory_space<semaphore_mem>>
        %dma_start3A_390 = arith.constant 0 : i32
        %dma_start3A_391 = tpu.memref_slice %arg8[%add3A_377, %dma_start3A_390] : memref<819200x64xf32, #tpu.memory_space<hbm>> -> memref<160x64xf32, #tpu.memory_space<hbm>>
        %dma_start3A_392 = arith.constant 0 : i32
        %dma_start3A_393 = tpu.memref_slice %arg8[%add3A_377, %dma_start3A_392] : memref<819200x64xf32, #tpu.memory_space<hbm>> -> memref<160x64xf32, #tpu.memory_space<hbm>>
        tpu.enqueue_dma source(%arg16 : memref<160x64xf32, #tpu.memory_space<vmem>>) target(%dma_start3A_393 : memref<160x64xf32, #tpu.memory_space<hbm>>) target_semaphore(%run_scoped3A : memref<!tpu.dma_semaphore, #tpu.memory_space<semaphore_mem>>)
        %dma_wait3A_394 = arith.constant 0 : i32
        %dma_wait3A_395 = tpu.memref_slice %arg8[%add3A_377, %dma_wait3A_394] : memref<819200x64xf32, #tpu.memory_space<hbm>> -> memref<160x64xf32, #tpu.memory_space<hbm>>
        %dma_wait3A_396 = arith.constant 0 : i32
        %dma_wait3A_397 = tpu.memref_slice %arg8[%add3A_377, %dma_wait3A_396] : memref<819200x64xf32, #tpu.memory_space<hbm>> -> memref<160x64xf32, #tpu.memory_space<hbm>>
        tpu.wait_dma2 semaphore(%run_scoped3A : memref<!tpu.dma_semaphore, #tpu.memory_space<semaphore_mem>>) src(%arg16 : memref<160x64xf32, #tpu.memory_space<vmem>>) dst(%dma_wait3A_397 : memref<160x64xf32, #tpu.memory_space<hbm>>)
        tpu.yield
      }) : () -> ()
    }
    %scan3A_335 = arith.constant 80 : i32
    return
  }
}

</mosaic_0001>

<sc_bundles>
// kernel: kernel.3.cloned.1.call-start
scs
__scs_entry_jumppad:
0x0: {  	(pc) =	sbr.rel $0x88, $3  }
0x1: {  	(tag) =	ssettag $0x0;
	lr =	simm.s32 $0x1  }
0x2: {  	[smem:$0x3F9D] =	sst lr;
	_ =	strace $0xD0000000  }
0x3: {  	_ = 	snop  }
0x4: {  	_ = 	snop  }
0x5: {  	_ = 	snop  }
0x6: {  	_ = 	snop  }
0x7: {  	_ = 	snop  }
__scs_overlays_trampoline_lowered:
0x8: {  	[smem:$0x3FAC] =	sst s0  }
0x9: {  	[smem:$0x3FAD] =	sst s1  }
0xa: {  	[smem:$0x3FAE] =	sst s2  }
0xb: {  	[smem:$0x3FAF] =	sst s3  }
0xc: {  	[smem:$0x3FB0] =	sst s4  }
0xd: {  	[smem:$0x3FB1] =	sst s5  }
0xe: {  	[smem:$0x3FB2] =	sst s6  }
0xf: {  	[smem:$0x3FB3] =	sst s7  }
0x10: {  	[smem:$0x3FB4] =	sst s8  }
0x11: {  	[smem:$0x3FB5] =	sst s9;
	s0 =	simm.s32 @!p0 $0x0  }
0x12: {  	s1 =	sld [smem:$0x3F9B];
	s0 =	simm.s32 @p0 $0x1  }
0x13: {  	[smem:$0x3FB6] =	sst s0;
	s0 =	simm.s32 @!p1 $0x0  }
0x14: {  	s2 =	sld [smem:$0x3F9A];
	s0 =	simm.s32 @p1 $0x1  }
0x15: {  	[smem:$0x3FB7] =	sst s0;
	s0 =	simm.s32 @!p2 $0x0  }
0x16: {  	s3 =	sld [smem:$0x3FDB];
	s0 =	simm.s32 @p2 $0x1  }
0x17: {  	s4 =	simm.s32 $0x1BF5;
	[smem:$0x3FB9] =	sst s0  }
0x18: {  	s0 =	sld [smem:$0x3F9C];
	_ =	swait.ge [sflag:s4], $0x0  }
0x19: {  	s7 =	sld [smem:$0x3F9D]  }
0x1a: {  	s8 =	sadd.s32 $0xFFFFE003, lr  }
0x1b: {  	s9 =	sadd.s32 $0xFFFFFEF7, lr;
	s5 =	simm.s32 $0xFFFFFFFF;
	p2 =	slt.u32 s8, $0xFFFFF086  }
0x1c: {  	p1 =	slt.u32 s9, $0xF7A;
	s5 =	simm.s32 @!p2 $0x0  }
0x1d: {  	s5 =	simm.s32 @p1 $0x1;
	p0 =	seq.s32 s7, s2  }
0x1e: {  	s7 =	smul.u32 @!p0 $0xF7A, s2;
	p2 =	seq.s32 @!p0 s5, $0x0  }
0x1f: {  	s9 =	smul.u32 $0xF7A, s1;
	s8 =	simm.s32 @!p0 $0x1BF5;
	p2 =	por !p2, p0  }
0x20: {  	[sflag:s8] =	ssyncset.s32 @!p0 $0xFFFFF086;
	s6 =	sadd.s32 @!p0 s3, s7;
	s7 =	simm.s32 @!p0 $0x108  }
0x21: {  	s3 =	sadd.s32 s3, s9;
	s6 =	sadd.s32 @!p0 $0x88, s6;
	s7 =	simm.s32 @p2 $0x1082  }
0x22: {  	[simem:s7], [sflag:s8] =	dma.local @!p0 [hbm:s6], $0xF7A  }
0x23: {  	s9 =	sor.u32 $0xD0000000, s2;
	s6 =	simm.s32 $0x108;
	_ =	swait.ge @!p0 [sflag:s8], $0x0  }
0x24: {  	s3 =	sadd.s32 $0x88, s3;
	s6 =	simm.s32 @!p1 $0x1082;
	[sflag:s4] =	ssyncset.s32 $0xFFFFF086  }
0x25: {  	[simem:s6], [sflag:s4] =	dma.local [hbm:s3], $0xF7A  }
0x26: {  	[smem:$0x3F9D] =	sst s1;
	(tag) =	ssettag s2;
	_ =	strace s9  }
0x27: {  	s1 =	sld [smem:$0x3FAD]  }
0x28: {  	s2 =	sld [smem:$0x3FAE]  }
0x29: {  	s4 =	sld [smem:$0x3FB0]  }
0x2a: {  	p0 =	seq.s32 s5, $0x0;
	s5 =	sld [smem:$0x3FB1]  }
0x2b: {  	s6 =	sld [smem:$0x3FB2]  }
0x2c: {  	s7 =	sld [smem:$0x3FB3]  }
0x2d: {  	s3 =	simm.s32 $0x108;
	s8 =	sld [smem:$0x3FB4]  }
0x2e: {  	s3 =	simm.s32 @!p0 $0x1082;
	s9 =	sld [smem:$0x3FB5]  }
0x2f: {  	lr =	sadd.s32 s0, s3;
	s0 =	sld [smem:$0x3FAC]  }
0x30: {  	s3 =	sld [smem:$0x3FAF]  }
0x31: {  	[smem:$0x3FB8] =	sst s10  }
0x32: {  	s10 =	sld [smem:$0x3FB6];
	_ =	sdelay $0x3  }
0x33: {  	p0 =	seq.s32 s10, $0x1;
	s10 =	sld [smem:$0x3FB8];
	_ =	sdelay $0x3  }
0x34: {  	[smem:$0x3FB8] =	sst s10  }
0x35: {  	s10 =	sld [smem:$0x3FB7];
	_ =	sdelay $0x3  }
0x36: {  	p1 =	seq.s32 s10, $0x1;
	s10 =	sld [smem:$0x3FB8];
	_ =	sdelay $0x3  }
0x37: {  	[smem:$0x3FB8] =	sst s10  }
0x38: {  	s10 =	sld [smem:$0x3FB9]  }
0x39: {  	_ = 	snop;
	(pc) =	sbr.ind lr, $3  }
0x3a: {  	_ = 	snop  }
0x3b: {  	_ = 	snop  }
0x3c: {  	p2 =	seq.s32 s10, $0x1;
	s10 =	sld [smem:$0x3FB8]  }
0x3d: {  	_ =	shalt  }
0x3e: {  	_ =	shalt  }
0x3f: {  	_ =	shalt  }
0x40: {  	_ =	shalt  }
0x41: {  	_ =	shalt  }
0x42: {  	_ =	shalt  }
0x43: {  	_ =	shalt  }
0x44: {  	_ =	shalt  }
0x45: {  	_ =	shalt  }
0x46: {  	_ =	shalt  }
0x47: {  	_ =	shalt  }
0x48: {  	_ =	shalt  }
0x49: {  	_ =	shalt  }
0x4a: {  	_ =	shalt  }
0x4b: {  	_ =	shalt  }
0x4c: {  	_ =	shalt  }
0x4d: {  	_ =	shalt  }
0x4e: {  	_ =	shalt  }
0x4f: {  	_ =	shalt  }
0x50: {  	_ =	shalt  }
0x51: {  	_ =	shalt  }
0x52: {  	_ =	shalt  }
0x53: {  	_ =	shalt  }
0x54: {  	_ =	shalt  }
0x55: {  	_ =	shalt  }
0x56: {  	_ =	shalt  }
0x57: {  	_ =	shalt  }
0x58: {  	_ =	shalt  }
0x59: {  	_ =	shalt  }
0x5a: {  	_ =	shalt  }
0x5b: {  	_ =	shalt  }
0x5c: {  	_ =	shalt  }
0x5d: {  	_ =	shalt  }
0x5e: {  	_ =	shalt  }
0x5f: {  	_ =	shalt  }
0x60: {  	_ =	shalt  }
0x61: {  	_ =	shalt  }
0x62: {  	_ =	shalt  }
0x63: {  	_ =	shalt  }
0x64: {  	_ =	shalt  }
0x65: {  	_ =	shalt  }
0x66: {  	_ =	shalt  }
0x67: {  	_ =	shalt  }
0x68: {  	_ =	shalt  }
0x69: {  	_ =	shalt  }
0x6a: {  	_ =	shalt  }
0x6b: {  	_ =	shalt  }
0x6c: {  	_ =	shalt  }
0x6d: {  	_ =	shalt  }
0x6e: {  	_ =	shalt  }
0x6f: {  	_ =	shalt  }
0x70: {  	_ =	shalt  }
0x71: {  	_ =	shalt  }
0x72: {  	_ =	shalt  }
0x73: {  	_ =	shalt  }
0x74: {  	_ =	shalt  }
0x75: {  	_ =	shalt  }
0x76: {  	_ =	shalt  }
0x77: {  	_ =	shalt  }
0x78: {  	_ =	shalt  }
0x79: {  	_ =	shalt  }
0x7a: {  	_ =	shalt  }
0x7b: {  	_ =	shalt  }
0x7c: {  	_ =	shalt  }
0x7d: {  	_ =	shalt  }
0x7e: {  	_ =	shalt  }
0x7f: {  	_ =	shalt  }
0x80: {  	_ =	shalt  }
0x81: {  	_ =	shalt  }
0x82: {  	_ =	shalt  }
0x83: {  	_ =	shalt  }
0x84: {  	_ =	shalt  }
0x85: {  	_ =	shalt  }
0x86: {  	_ =	shalt  }
0x87: {  	_ =	shalt  }
.Lfunc_end0:
.L_simem_size_0:
called_computation.1_lowered:
.L_overlay_start_0:
0x88: {  	s2 =	sld [smem:$0x3FD9]  }
0x89: {  	s3 =	sld [smem:$0x3FFE];
	_ =	sdelay $0x1  }
0x8a: {  	s1 =	srdreg.scid  }
0x8b: {  	s0 =	sand.u32 $0x1, s1  }
0x8c: {  	s17 =	sshll.u32 s0, $0xA;
	s2 =	sadd.s32 s3, s2  }
0x8d: {  	s2 =	sadd.s32 s2, s17  }
0x8e: {  	[smem:$0x3FC4] =	sst s2  }
0x8f: {  	_ = 	snop  }
0x90: {  	s2 =	sld [smem:$0x3FD0];
	(tm) =	ssettm $0x1  }
0x91: {  	s18 =	sld [smem:$0x3FFB];
	_ =	sdelay $0x3  }
0x92: {  	_ =	strace s18  }
0x93: {  	s3 =	sld [smem:$0x3FFC];
	_ =	sdelay $0x3  }
0x94: {  	_ =	strace s3  }
0x95: {  	s3 =	sld [smem:$0x3FFD];
	_ =	sdelay $0x3  }
0x96: {  	_ =	strace s3  }
0x97: {  	_ =	strace $0x8FFFFFFF  }
0x98: {  	s19 =	sld [smem:$0x3FDB];
	_ =	sdelay $0x1  }
0x99: {  	s4 =	simm.s32 $_scs_section_size  }
0x9a: {  	s5 =	simm.s32 $_size__tile_overlayer_lowered;
	s6 =	simm.s32 $_tile_overlayer_lowered  }
0x9b: {  	s22 =	simm.s32 $0x1BFF;
	s21 =	sshll.u32 s6, $0x1;
	s3 =	sadd.s32 s4, s19  }
0x9c: {  	s7 =	simm.s32 $0x0;
	s20 =	sshll.u32 s5, $0x1;
	s5 =	sadd.s32 s21, s3  }
0x9d: {  	[timem:s7], [sflag:s22] =	dma.local [hbm:s5], s20  }
0x9e: {  	_ =	swait.ge [sflag:s22], s20  }
0x9f: {  	s4 =	ssub.s32 $0x0, s20;
	[sflag:s22] =	ssyncset.done $0x0  }
0xa0: {  	[sflag:s22] =	ssyncadd.s32 s4;
	_ =	sdelay $0x1  }
0xa1: {  	s23 =	simm.s32 $0x1B8B  }
0xa2: {  	_ =	swait.ge [sflag:s23], $0x1  }
0xa3: {  	[sflag:s23] =	ssyncset.done $0x0  }
0xa4: {  	s25 =	simm.s32 $0x1B8E;
	s24 =	sld [smem:$0x3FFE];
	[sflag:s23] =	ssyncadd.s32 $0xFFFFFFFF  }
0xa5: {  	s26 =	simm.s32 $execute0_lowered;
	[smem:$0x3FD2] =	sst s25  }
0xa6: {  	s5 =	sshll.u32 s26, $0x1;
	_ =	strace $0x80000046;
	[dreg:$0x1] =	wrdreg $0xFFFFFFFF  }
0xa7: {  	s28 =	simm.s32 $_size_execute0_lowered;
	s3 =	sadd.s32 s3, s5;
	[dreg:$0x0] =	wrdreg $0x0  }
0xa8: {  	s5 =	sshll.u32 s28, $0x1;
	[dreg:$0x2] =	wrdreg s3  }
0xa9: {  	[dreg:$0x3] =	wrdreg s5  }
0xaa: {  	[dreg:$0x4] =	wrdreg $0xC0  }
0xab: {  	_ =	task [dreg:s7], $0x5FFFF  }
0xac: {  	[dreg:$0x1] =	wrdreg $0xFFFFFFFF  }
0xad: {  	[dreg:$0x0] =	wrdreg $0x60  }
0xae: {  	[dreg:$0x2] =	wrdreg s24  }
0xaf: {  	[dreg:$0x3] =	wrdreg s2  }
0xb0: {  	[dreg:$0x4] =	wrdreg $0x9  }
0xb1: {  	_ =	task.clear_ibuf [dreg:s7], $0x5FFFF;
	_ =	strace $0x90000046  }
0xb2: {  	s29 =	simm.s32 $0x9;
	_ =	strace $0x80000048  }
0xb3: {  	_ =	swait.ge [sflag:s29], $0x1  }
0xb4: {  	[sflag:s29] =	ssyncadd.s32 $0xFFFFFFFF  }
0xb5: {  	_ =	strace $0x90000048  }
0xb6: {  	_ =	sfence  }
0xb7: {  	s30 =	sld [smem:$0x0];
	_ =	sdelay $0x2  }
0xb8: {  	s31 =	sshll.u32 s1, $0xD;
	s1 =	sshrl.u32 s1, $0x2  }
0xb9: {  	s3 =	sand.u32 $0x4000, s31;
	s1 =	sadd.s32 s1, s30  }
0xba: {  	s0 =	sor.u32 s3, s0;
	s1 =	sshll.u32 s1, $0x11  }
0xbb: {  	s0 =	sor.u32 s1, s0  }
0xbc: {  	s0 =	sadd.s32 $0x8F2B, s0  }
0xbd: {  	[sflag:s0] =	ssyncadd.remote.s32 $0x1  }
0xbe: {  	_ =	sfence.sel $0xFFFF  }
0xbf: {  	[dreg:$0x0] =	wrdreg $0xFFFFFFFF;
	(pc) =	sbr.abs _section_cstart, $3  }
0xc0: {  	[dreg:$0x1] =	wrdreg $0xFFFFFFFF  }
0xc1: {  	_ =	task.clear_ibuf [dreg:s7], $0x2FFFF;
	_ =	strace $0x9FFFFFFF  }
0xc2: {  	(tm) =	ssettm $0x7FFFFFFF  }
0xc3: {  	_ =	shalt  }
tec
execute0_lowered:
.L_overlay_start_1:
0x0: {  	(tag) =	ssettag $0x1  }
0x1: {  	s1 =	rddreg [dreg:$0x0]  }
0x2: {  	s3 =	rddreg [dreg:$0x1];
	s4 =	simm.s32 $0x0;
	s0 =	srdreg.scid  }
0x3: {  	s2 =	stileid.u32;
	s15 =	simm.s32 $0x7;
	s16 =	simm.s32 $0xA0  }
0x4: {  	s17 =	simm.s32 $0x7A80;
	s19 =	simm.s32 $0x1E0;
	s20 =	simm.s32 $0x1  }
0x5: {  	s22 =	simm.s32 $0xA280;
	s23 =	simm.s32 $0x11D00;
	s28 =	simm.s32 $0x4  }
0x6: {  	s29 =	simm.s32 $0xA500;
	s30 =	simm.s32 $0x3;
	s31 =	simm.s32 $0x2  }
0x7: {  	s13 =	simm.s32 $0x0;
	[smem:$0x7FF] =	sst s4;
	s0 =	sand.u32 $0x1, s0  }
0x8: {  	s2 =	sshll.u32 s2, $0x1;
	s5 =	sadd.s32 $0x5BE00, s1;
	s6 =	sadd.s32 $0x3D400, s1  }
0x9: {  	s8 =	sadd.s32 $0x1EA00, s1;
	s9 =	sadd.s32 $0x74E00, s1;
	s2 =	sor.u32 s0, s2  }
0xa: {  	s10 =	sadd.s32 $0xF9E400, s1;
	s0 =	ssub.s32 $0x2, s0;
	s7 =	smul.u32 $0x6400, s2  }
0xb: {  	_ =	strace $0x80000047;
	s24 =	sshrl.u32 s0, $0x1;
	s2 =	simm.s32 $0x5  }
0xc: {  	s0 =	ssub.s32 s0, s24;
	s24 =	simm.s32 $0xA320;
	s26 =	sor.u32 $0x140, s7  }
0xd: {  	s11 =	sshrl.u32 s7, $0x3;
	s0 =	smax.u32 s0, $0x1;
	[dreg:$0x4] =	wrdreg s26  }
0xe: {  	s12 =	sor.u32 $0xA0, s7;
	s25 =	sadd.s32 s5, s11;
	[dreg:$0x5] =	wrdreg s0  }
0xf: {  	s26 =	simm.s32 $0xA460;
	s0 =	simm.s32 $0x6;
	[dreg:$0x3] =	wrdreg s25  }
.LBB2_1:
0x10: {  	[dreg:$0x6] =	wrdreg s13  }
0x11: {  	s11 =	rddreg [dreg:$0x3]  }
0x12: {  	[tilespmem:s4], [sflag:$0x7] =	stream.linear.gather [hbm4b:s11+s4], $0xA0, $0x38;
	[tilespmem:$0x14500] =	vst v63  }
0x13: {  	_ =	swait.ge [sflag:s15], $0xA0  }
0x14: {  	[sflag:s15] =	ssyncset.done $0x0  }
0x15: {  	[sflag:s15] =	ssyncadd.s32 $0xFFFFFF60  }
0x16: {  	[tilespmem:s17], [sflag:$0x2] =	stream.indirect.gather [hbm4b:s10+s16], $0x40, s4, s16, $0xb8;
	[tilespmem:$0x14500] =	vst v63  }
0x17: {  	_ = 	snop  }
0x18: {  	[tilespmem:s16], [sflag:$0x1] =	stream.indirect.gather [hbm4b:s6+s16], $0x1, s4, s16, $0xb8;
	[tilespmem:$0x14500] =	vst v63  }
0x19: {  	s21 =	simm.s32 $0x140  }
0x1a: {  	[tilespmem:s21], [sflag:$0x1] =	stream.indirect.gather [hbm4b:s8+s16], $0x1, s4, s16, $0xb8;
	[tilespmem:$0x14500] =	vst v63  }
0x1b: {  	_ = 	snop  }
0x1c: {  	[tilespmem:s19], [sflag:$0x1] =	stream.indirect.gather [hbm4b:s1+s16], $0x1, s4, s16, $0xb8;
	[tilespmem:$0x14500] =	vst v63  }
0x1d: {  	_ =	swait.ge [sflag:s20], $0xA0  }
0x1e: {  	[sflag:s20] =	ssyncset.done $0x0  }
0x1f: {  	[sflag:s20] =	ssyncadd.s32 $0xFFFFFF60  }
0x20: {  	_ =	swait.ge [sflag:s20], $0xA0  }
0x21: {  	[sflag:s20] =	ssyncset.done $0x0  }
0x22: {  	[sflag:s20] =	ssyncadd.s32 $0xFFFFFF60  }
0x23: {  	_ =	swait.ge [sflag:s20], $0xA0  }
0x24: {  	[sflag:s20] =	ssyncset.done $0x0  }
0x25: {  	[sflag:s20] =	ssyncadd.s32 $0xFFFFFF60  }
0x26: {  	v0 =	vld [tilespmem:$0xA0]  }
0x27: {  	v1 =	vld [tilespmem:$0xB0]  }
0x28: {  	v2 =	vld [tilespmem:$0xC0]  }
0x29: {  	v3 =	vld [tilespmem:$0xD0]  }
0x2a: {  	v4 =	vld [tilespmem:$0xE0]  }
0x2b: {  	v5 =	vld [tilespmem:$0xF0];
	v0 =	vadd.s32 $0x1, v0  }
0x2c: {  	v12 =	vld [tilespmem:$0x100];
	v11 =	vadd.s32 $0x1, v1;
	[tilespmem:$0xA0] =	vst v0  }
0x2d: {  	v14 =	vld [tilespmem:$0x110];
	v13 =	vadd.s32 $0x1, v2;
	[tilespmem:$0xB0] =	vst v11  }
0x2e: {  	v16 =	vld [tilespmem:$0x120];
	v15 =	vadd.s32 $0x1, v3;
	[tilespmem:$0xC0] =	vst v13  }
0x2f: {  	v18 =	vld [tilespmem:$0x130];
	v17 =	vadd.s32 $0x1, v4;
	[tilespmem:$0xD0] =	vst v15  }
0x30: {  	v20 =	vld [tilespmem:$0x140];
	v19 =	vadd.s32 $0x1, v5;
	[tilespmem:$0xE0] =	vst v17  }
0x31: {  	v22 =	vld [tilespmem:$0x150];
	v21 =	vadd.s32 $0x1, v12;
	[tilespmem:$0xF0] =	vst v19  }
0x32: {  	v24 =	vld [tilespmem:$0x160];
	v23 =	vadd.s32 $0x1, v14;
	[tilespmem:$0x100] =	vst v21  }
0x33: {  	v26 =	vld [tilespmem:$0x170];
	v25 =	vadd.s32 $0x1, v16;
	[tilespmem:$0x110] =	vst v23  }
0x34: {  	v28 =	vld [tilespmem:$0x180];
	v27 =	vadd.s32 $0x1, v18;
	[tilespmem:$0x120] =	vst v25  }
0x35: {  	v30 =	vld [tilespmem:$0x190];
	v29 =	vadd.s32 $0x401, v20;
	[tilespmem:$0x130] =	vst v27  }
0x36: {  	v32 =	vld [tilespmem:$0x1A0];
	v31 =	vadd.s32 $0x401, v22;
	[tilespmem:$0x140] =	vst v29  }
0x37: {  	v34 =	vld [tilespmem:$0x1B0];
	v33 =	vadd.s32 $0x401, v24;
	[tilespmem:$0x150] =	vst v31  }
0x38: {  	v36 =	vld [tilespmem:$0x1C0];
	v35 =	vadd.s32 $0x401, v26;
	[tilespmem:$0x160] =	vst v33  }
0x39: {  	v38 =	vld [tilespmem:$0x1D0];
	v37 =	vadd.s32 $0x401, v28;
	[tilespmem:$0x170] =	vst v35  }
0x3a: {  	v40 =	vld [tilespmem:$0x1E0];
	v39 =	vadd.s32 $0x401, v30;
	[tilespmem:$0x180] =	vst v37  }
0x3b: {  	v42 =	vld [tilespmem:$0x1F0];
	v41 =	vadd.s32 $0x401, v32;
	[tilespmem:$0x190] =	vst v39  }
0x3c: {  	v44 =	vld [tilespmem:$0x200];
	v43 =	vadd.s32 $0x401, v34;
	[tilespmem:$0x1A0] =	vst v41  }
0x3d: {  	v46 =	vld [tilespmem:$0x210];
	v45 =	vadd.s32 $0x401, v36;
	[tilespmem:$0x1B0] =	vst v43  }
0x3e: {  	v48 =	vld [tilespmem:$0x220];
	v47 =	vadd.s32 $0x401, v38;
	[tilespmem:$0x1C0] =	vst v45  }
0x3f: {  	v50 =	vld [tilespmem:$0x230];
	v49 =	vadd.s32 $0x801, v40;
	[tilespmem:$0x1D0] =	vst v47  }
0x40: {  	v52 =	vld [tilespmem:$0x240];
	v51 =	vadd.s32 $0x801, v42;
	[tilespmem:$0x1E0] =	vst v49  }
0x41: {  	v54 =	vld [tilespmem:$0x250];
	v53 =	vadd.s32 $0x801, v44;
	[tilespmem:$0x1F0] =	vst v51  }
0x42: {  	v56 =	vld [tilespmem:$0x260];
	v55 =	vadd.s32 $0x801, v46;
	[tilespmem:$0x200] =	vst v53  }
0x43: {  	v58 =	vld [tilespmem:$0x270];
	v57 =	vadd.s32 $0x801, v48;
	[tilespmem:$0x210] =	vst v55  }
0x44: {  	v59 =	vadd.s32 $0x801, v50;
	[tilespmem:$0x220] =	vst v57  }
0x45: {  	v60 =	vadd.s32 $0x801, v52;
	[tilespmem:$0x230] =	vst v59  }
0x46: {  	v61 =	vadd.s32 $0x801, v54;
	[tilespmem:$0x240] =	vst v60  }
0x47: {  	v62 =	vadd.s32 $0x801, v56;
	[tilespmem:$0x250] =	vst v61  }
0x48: {  	v63 =	vadd.s32 $0x801, v58;
	[tilespmem:$0x260] =	vst v62  }
0x49: {  	s25 =	simm.s32 $0x280;
	s14 =	simm.s32 $0x0;
	[tilespmem:$0x270] =	vst v63  }
0x4a: {  	[tilespmem:s25], [sflag:$0x3] =	stream.indirect.gather [hbm4b:s9+s19], $0x40, s16, s19, $0xb8;
	[tilespmem:$0x14500] =	vst v63  }
.LBB2_2:
0x4b: {  	s18 =	smul.u32 $0x140, s14;
	_ =	sdelay $0x1  }
0x4c: {  	s11 =	sadd.s32 s18, s12  }
0x4d: {  	s13 =	sshrl.u32 s11, $0x3  }
0x4e: {  	s21 =	simm.s32 $0x0;
	s13 =	sadd.s32 s5, s13  }
0x4f: {  	[tilespmem:s22], [sflag:$0x7] =	stream.linear.gather [hbm4b:s13+s21], $0xA0, $0x38;
	[tilespmem:$0x14500] =	vst v63  }
0x50: {  	_ =	swait.ge [sflag:s15], $0xA0  }
0x51: {  	[sflag:s15] =	ssyncset.done $0x0  }
0x52: {  	[sflag:s15] =	ssyncadd.s32 $0xFFFFFF60  }
0x53: {  	[tilespmem:s23], [sflag:$0x5] =	stream.indirect.gather [hbm4b:s10+s16], $0x40, s22, s16, $0xb8;
	[tilespmem:$0x14500] =	vst v63  }
0x54: {  	_ = 	snop  }
0x55: {  	[tilespmem:s24], [sflag:$0x4] =	stream.indirect.gather [hbm4b:s6+s16], $0x1, s22, s16, $0xb8;
	[tilespmem:$0x14500] =	vst v63  }
0x56: {  	s25 =	simm.s32 $0xA3C0  }
0x57: {  	[tilespmem:s25], [sflag:$0x4] =	stream.indirect.gather [hbm4b:s8+s16], $0x1, s22, s16, $0xb8;
	[tilespmem:$0x14500] =	vst v63  }
0x58: {  	_ = 	snop  }
0x59: {  	[tilespmem:s26], [sflag:$0x4] =	stream.indirect.gather [hbm4b:s1+s16], $0x1, s22, s16, $0xb8;
	[tilespmem:$0x14500] =	vst v63  }
0x5a: {  	_ =	swait.ge [sflag:s28], $0xA0  }
0x5b: {  	[sflag:s28] =	ssyncset.done $0x0  }
0x5c: {  	[sflag:s28] =	ssyncadd.s32 $0xFFFFFF60  }
0x5d: {  	_ =	swait.ge [sflag:s28], $0xA0  }
0x5e: {  	[sflag:s28] =	ssyncset.done $0x0  }
0x5f: {  	[sflag:s28] =	ssyncadd.s32 $0xFFFFFF60  }
0x60: {  	_ =	swait.ge [sflag:s28], $0xA0  }
0x61: {  	[sflag:s28] =	ssyncset.done $0x0  }
0x62: {  	[sflag:s28] =	ssyncadd.s32 $0xFFFFFF60  }
0x63: {  	v0 =	vld [tilespmem:$0xA320]  }
0x64: {  	v1 =	vld [tilespmem:$0xA330]  }
0x65: {  	v2 =	vld [tilespmem:$0xA340]  }
0x66: {  	v3 =	vld [tilespmem:$0xA350]  }
0x67: {  	v4 =	vld [tilespmem:$0xA360]  }
0x68: {  	v5 =	vld [tilespmem:$0xA370];
	v0 =	vadd.s32 $0x1, v0  }
0x69: {  	[tilespmem:$0xA320] =	vst v0;
	v0 =	vadd.s32 $0x1, v1;
	v1 =	vld [tilespmem:$0xA380]  }
0x6a: {  	[tilespmem:$0xA330] =	vst v0;
	v0 =	vadd.s32 $0x1, v2;
	v2 =	vld [tilespmem:$0xA390]  }
0x6b: {  	[tilespmem:$0xA340] =	vst v0;
	v0 =	vadd.s32 $0x1, v3;
	v3 =	vld [tilespmem:$0xA3A0]  }
0x6c: {  	[tilespmem:$0xA350] =	vst v0;
	v0 =	vadd.s32 $0x1, v4;
	v4 =	vld [tilespmem:$0xA3B0]  }
0x6d: {  	[tilespmem:$0xA360] =	vst v0;
	v0 =	vadd.s32 $0x1, v5;
	v5 =	vld [tilespmem:$0xA3C0]  }
0x6e: {  	[tilespmem:$0xA370] =	vst v0;
	v0 =	vadd.s32 $0x1, v1;
	v1 =	vld [tilespmem:$0xA3D0]  }
0x6f: {  	[tilespmem:$0xA380] =	vst v0;
	v0 =	vadd.s32 $0x1, v2;
	v2 =	vld [tilespmem:$0xA3E0]  }
0x70: {  	[tilespmem:$0xA390] =	vst v0;
	v0 =	vadd.s32 $0x1, v3;
	v3 =	vld [tilespmem:$0xA3F0]  }
0x71: {  	[tilespmem:$0xA3A0] =	vst v0;
	v0 =	vadd.s32 $0x1, v4;
	v4 =	vld [tilespmem:$0xA400]  }
0x72: {  	[tilespmem:$0xA3B0] =	vst v0;
	v0 =	vadd.s32 $0x401, v5;
	v5 =	vld [tilespmem:$0xA410]  }
0x73: {  	[tilespmem:$0xA3C0] =	vst v0;
	v0 =	vadd.s32 $0x401, v1;
	v1 =	vld [tilespmem:$0xA420]  }
0x74: {  	[tilespmem:$0xA3D0] =	vst v0;
	v0 =	vadd.s32 $0x401, v2;
	v2 =	vld [tilespmem:$0xA430]  }
0x75: {  	[tilespmem:$0xA3E0] =	vst v0;
	v0 =	vadd.s32 $0x401, v3;
	v3 =	vld [tilespmem:$0xA440]  }
0x76: {  	[tilespmem:$0xA3F0] =	vst v0;
	v0 =	vadd.s32 $0x401, v4;
	v4 =	vld [tilespmem:$0xA450]  }
0x77: {  	[tilespmem:$0xA400] =	vst v0;
	v0 =	vadd.s32 $0x401, v5;
	v5 =	vld [tilespmem:$0xA460]  }
0x78: {  	[tilespmem:$0xA410] =	vst v0;
	v0 =	vadd.s32 $0x401, v1;
	v1 =	vld [tilespmem:$0xA470]  }
0x79: {  	[tilespmem:$0xA420] =	vst v0;
	v0 =	vadd.s32 $0x401, v2;
	v2 =	vld [tilespmem:$0xA480]  }
0x7a: {  	[tilespmem:$0xA430] =	vst v0;
	v0 =	vadd.s32 $0x401, v3;
	v3 =	vld [tilespmem:$0xA490]  }
0x7b: {  	[tilespmem:$0xA440] =	vst v0;
	v0 =	vadd.s32 $0x401, v4;
	v4 =	vld [tilespmem:$0xA4A0]  }
0x7c: {  	[tilespmem:$0xA450] =	vst v0;
	v0 =	vadd.s32 $0x801, v5;
	v5 =	vld [tilespmem:$0xA4B0]  }
0x7d: {  	[tilespmem:$0xA460] =	vst v0;
	v0 =	vadd.s32 $0x801, v1;
	v1 =	vld [tilespmem:$0xA4C0]  }
0x7e: {  	[tilespmem:$0xA470] =	vst v0;
	v0 =	vadd.s32 $0x801, v2;
	v2 =	vld [tilespmem:$0xA4D0]  }
0x7f: {  	[tilespmem:$0xA480] =	vst v0;
	v0 =	vadd.s32 $0x801, v3;
	v3 =	vld [tilespmem:$0xA4E0]  }
0x80: {  	[tilespmem:$0xA490] =	vst v0;
	v0 =	vadd.s32 $0x801, v4;
	v4 =	vld [tilespmem:$0xA4F0]  }
0x81: {  	[tilespmem:$0xA4A0] =	vst v0;
	v0 =	vadd.s32 $0x801, v5  }
0x82: {  	[tilespmem:$0xA4B0] =	vst v0;
	v0 =	vadd.s32 $0x801, v1  }
0x83: {  	[tilespmem:$0xA4C0] =	vst v0;
	v0 =	vadd.s32 $0x801, v2  }
0x84: {  	[tilespmem:$0xA4D0] =	vst v0;
	v0 =	vadd.s32 $0x801, v3  }
0x85: {  	[tilespmem:$0xA4E0] =	vst v0;
	v0 =	vadd.s32 $0x801, v4  }
0x86: {  	[tilespmem:$0xA4F0] =	vst v0  }
0x87: {  	[tilespmem:s29], [sflag:$0x6] =	stream.indirect.gather [hbm4b:s9+s19], $0x40, s24, s19, $0xb8;
	[tilespmem:$0x14500] =	vst v63  }
0x88: {  	_ =	swait.ge [sflag:s30], $0x7800  }
0x89: {  	[sflag:s30] =	ssyncset.done $0x0  }
0x8a: {  	[sflag:s30] =	ssyncadd.s32 $0xFFFF8800  }
0x8b: {  	_ =	swait.ge [sflag:s31], $0x2800  }
0x8c: {  	[sflag:s31] =	ssyncset.done $0x0  }
0x8d: {  	s21 =	simm.s32 $0x0;
	[sflag:s31] =	ssyncadd.s32 $0xFFFFD800  }
0x8e: {  	v2 =	vld [tilespmem:s21+$0x5280]  }
0x8f: {  	v0 =	vld [tilespmem:s21+$0x5290]  }
0x90: {  	v3 =	vld [tilespmem:s21+$0x2A80]  }
0x91: {  	v1 =	vld [tilespmem:s21+$0x2A90]  }
0x92: {  	v6 =	vld [tilespmem:s21+$0x280]  }
0x93: {  	v7 =	vld [tilespmem:s21+$0x290]  }
0x94: {  	v5 =	vld [tilespmem:s21+$0x2A0]  }
0x95: {  	v4 =	vld [tilespmem:s21+$0x2B0]  }
0x96: {  	v10 =	vld [tilespmem:s21+$0x7A80]  }
0x97: {  	v9 =	vld [tilespmem:s21+$0x7A90]  }
0x98: {  	s13 =	simm.s32 $0x100;
	v8 =	vld [tilespmem:s21+$0x7AA0]  }
.LBB2_3:
0x99: {  	p0 =	sne.s32 s13, $0x9F00;
	v11 =	vld [tilespmem:s21+$0x7AB0]  }
0x9a: {  	v12 =	vld [tilespmem:s21+$0x2AA0]  }
0x9b: {  	v6 =	vadd.f32 v6, v10;
	v10 =	vld [tilespmem:s21+$0x2AB0]  }
0x9c: {  	v7 =	vadd.f32 v7, v9;
	v9 =	vld [tilespmem:s21+$0x52A0]  }
0x9d: {  	s25 =	sshra.s32 s13, $0x2;
	v3 =	vadd.f32 v3, v6;
	v5 =	vadd.f32 v5, v8;
	v8 =	vld [tilespmem:s21+$0x52B0]  }
0x9e: {  	v13 =	vld [tilespmem:s25+$0x5280];
	v1 =	vadd.f32 v1, v7;
	v4 =	vadd.f32 v4, v11  }
0x9f: {  	v11 =	vld [tilespmem:s25+$0x5290];
	v2 =	vadd.f32 v2, v3;
	v5 =	vadd.f32 v12, v5  }
0xa0: {  	v3 =	vld [tilespmem:s25+$0x2A80];
	v0 =	vadd.f32 v0, v1;
	v4 =	vadd.f32 v10, v4  }
0xa1: {  	v1 =	vld [tilespmem:s25+$0x2A90];
	[tilespmem:s21+$0x7A80] =	vst v2;
	v5 =	vadd.f32 v9, v5  }
0xa2: {  	v6 =	vld [tilespmem:s25+$0x280];
	[tilespmem:s21+$0x7A90] =	vst v0;
	v4 =	vadd.f32 v8, v4  }
0xa3: {  	v7 =	vld [tilespmem:s25+$0x290];
	[tilespmem:s21+$0x7AA0] =	vst v5;
	v2 =	vmov v13  }
.Ltmp0:
0xa4: {  	v5 =	vld [tilespmem:s25+$0x2A0];
	[tilespmem:s21+$0x7AB0] =	vst v4;
	v0 =	vmov v11;
	s21 =	smov.u32 s25;
	(pc) =	sbr.rel @p0 .LBB2_3-.Ltmp0, $4  }
0xa5: {  	v4 =	vld [tilespmem:s21+$0x2B0]  }
0xa6: {  	v10 =	vld [tilespmem:s21+$0x7A80]  }
0xa7: {  	v9 =	vld [tilespmem:s21+$0x7A90]  }
0xa8: {  	s13 =	sadd.s32 $0x100, s13;
	v8 =	vld [tilespmem:s21+$0x7AA0]  }
0xa9: {  	v11 =	vld [tilespmem:s21+$0x7AB0]  }
0xaa: {  	v12 =	vld [tilespmem:s21+$0x2AA0]  }
0xab: {  	v57 =	vld [tilespmem:s21+$0x2AB0];
	v6 =	vadd.f32 v6, v10  }
0xac: {  	v58 =	vld [tilespmem:s21+$0x52A0];
	v7 =	vadd.f32 v7, v9  }
0xad: {  	v59 =	vld [tilespmem:s21+$0x52B0];
	v3 =	vadd.f32 v3, v6;
	v5 =	vadd.f32 v5, v8  }
0xae: {  	v1 =	vadd.f32 v1, v7;
	v4 =	vadd.f32 v4, v11  }
0xaf: {  	v2 =	vadd.f32 v2, v3;
	v60 =	vadd.f32 v12, v5  }
0xb0: {  	v0 =	vadd.f32 v0, v1;
	v61 =	vadd.f32 v57, v4  }
0xb1: {  	[tilespmem:s21+$0x7A80] =	vst v2;
	v62 =	vadd.f32 v58, v60  }
0xb2: {  	s13 =	sadd.s32 s7, s18;
	[tilespmem:s21+$0x7A90] =	vst v0;
	v63 =	vadd.f32 v59, v61  }
0xb3: {  	p0 =	seq.s32 s14, $0x4F;
	s13 =	sshll.u32 s13, $0x3;
	[tilespmem:s21+$0x7AA0] =	vst v62  }
.Ltmp1:
0xb4: {  	s13 =	sadd.s32 s3, s13;
	[tilespmem:s21+$0x7AB0] =	vst v63;
	(pc) =	sbr.rel @p0 .LBB2_6-.Ltmp1, $4  }
0xb5: {  	[hbm4b:s13+s4] =	stream.linear.scatter [tilespmem:s17], [sflag:$0x7], $0x2800, $0x38;
	[tilespmem:$0x14500] =	vst v63  }
0xb6: {  	_ =	swait.ge [sflag:s15], $0x2800  }
0xb7: {  	[sflag:s15] =	ssyncset.done $0x0  }
0xb8: {  	[sflag:s15] =	ssyncadd.s32 $0xFFFFD800  }
0xb9: {  	s13 =	rddreg [dreg:$0x4]  }
0xba: {  	s13 =	sadd.s32 s18, s13  }
0xbb: {  	s13 =	sshrl.u32 s13, $0x3  }
0xbc: {  	s13 =	sadd.s32 s5, s13  }
0xbd: {  	[tilespmem:s4], [sflag:$0x7] =	stream.linear.gather [hbm4b:s13+s4], $0xA0, $0x38;
	[tilespmem:$0x14500] =	vst v63  }
0xbe: {  	_ =	swait.ge [sflag:s15], $0xA0  }
0xbf: {  	[sflag:s15] =	ssyncset.done $0x0  }
0xc0: {  	[sflag:s15] =	ssyncadd.s32 $0xFFFFFF60  }
0xc1: {  	[tilespmem:s17], [sflag:$0x2] =	stream.indirect.gather [hbm4b:s10+s16], $0x40, s4, s16, $0xb8;
	[tilespmem:$0x14500] =	vst v63  }
0xc2: {  	_ = 	snop  }
0xc3: {  	[tilespmem:s16], [sflag:$0x1] =	stream.indirect.gather [hbm4b:s6+s16], $0x1, s4, s16, $0xb8;
	[tilespmem:$0x14500] =	vst v63  }
0xc4: {  	s21 =	simm.s32 $0x140  }
0xc5: {  	[tilespmem:s21], [sflag:$0x1] =	stream.indirect.gather [hbm4b:s8+s16], $0x1, s4, s16, $0xb8;
	[tilespmem:$0x14500] =	vst v63  }
0xc6: {  	_ = 	snop  }
0xc7: {  	[tilespmem:s19], [sflag:$0x1] =	stream.indirect.gather [hbm4b:s1+s16], $0x1, s4, s16, $0xb8;
	[tilespmem:$0x14500] =	vst v63  }
0xc8: {  	_ =	swait.ge [sflag:s20], $0xA0  }
0xc9: {  	[sflag:s20] =	ssyncset.done $0x0  }
0xca: {  	[sflag:s20] =	ssyncadd.s32 $0xFFFFFF60  }
0xcb: {  	_ =	swait.ge [sflag:s20], $0xA0  }
0xcc: {  	[sflag:s20] =	ssyncset.done $0x0  }
0xcd: {  	[sflag:s20] =	ssyncadd.s32 $0xFFFFFF60  }
0xce: {  	_ =	swait.ge [sflag:s20], $0xA0  }
0xcf: {  	[sflag:s20] =	ssyncset.done $0x0  }
0xd0: {  	[sflag:s20] =	ssyncadd.s32 $0xFFFFFF60  }
0xd1: {  	v0 =	vld [tilespmem:$0xA0]  }
0xd2: {  	v1 =	vld [tilespmem:$0xB0]  }
0xd3: {  	v2 =	vld [tilespmem:$0xC0]  }
0xd4: {  	v3 =	vld [tilespmem:$0xD0]  }
0xd5: {  	v4 =	vld [tilespmem:$0xE0]  }
0xd6: {  	v5 =	vld [tilespmem:$0xF0];
	v0 =	vadd.s32 $0x1, v0  }
0xd7: {  	v12 =	vld [tilespmem:$0x100];
	v11 =	vadd.s32 $0x1, v1;
	[tilespmem:$0xA0] =	vst v0  }
0xd8: {  	v14 =	vld [tilespmem:$0x110];
	v13 =	vadd.s32 $0x1, v2;
	[tilespmem:$0xB0] =	vst v11  }
0xd9: {  	v16 =	vld [tilespmem:$0x120];
	v15 =	vadd.s32 $0x1, v3;
	[tilespmem:$0xC0] =	vst v13  }
0xda: {  	v18 =	vld [tilespmem:$0x130];
	v17 =	vadd.s32 $0x1, v4;
	[tilespmem:$0xD0] =	vst v15  }
0xdb: {  	v20 =	vld [tilespmem:$0x140];
	v19 =	vadd.s32 $0x1, v5;
	[tilespmem:$0xE0] =	vst v17  }
0xdc: {  	v22 =	vld [tilespmem:$0x150];
	v21 =	vadd.s32 $0x1, v12;
	[tilespmem:$0xF0] =	vst v19  }
0xdd: {  	v24 =	vld [tilespmem:$0x160];
	v23 =	vadd.s32 $0x1, v14;
	[tilespmem:$0x100] =	vst v21  }
0xde: {  	v26 =	vld [tilespmem:$0x170];
	v25 =	vadd.s32 $0x1, v16;
	[tilespmem:$0x110] =	vst v23  }
0xdf: {  	v28 =	vld [tilespmem:$0x180];
	v27 =	vadd.s32 $0x1, v18;
	[tilespmem:$0x120] =	vst v25  }
0xe0: {  	v30 =	vld [tilespmem:$0x190];
	v29 =	vadd.s32 $0x401, v20;
	[tilespmem:$0x130] =	vst v27  }
0xe1: {  	v32 =	vld [tilespmem:$0x1A0];
	v31 =	vadd.s32 $0x401, v22;
	[tilespmem:$0x140] =	vst v29  }
0xe2: {  	v34 =	vld [tilespmem:$0x1B0];
	v33 =	vadd.s32 $0x401, v24;
	[tilespmem:$0x150] =	vst v31  }
0xe3: {  	v36 =	vld [tilespmem:$0x1C0];
	v35 =	vadd.s32 $0x401, v26;
	[tilespmem:$0x160] =	vst v33  }
0xe4: {  	v38 =	vld [tilespmem:$0x1D0];
	v37 =	vadd.s32 $0x401, v28;
	[tilespmem:$0x170] =	vst v35  }
0xe5: {  	v40 =	vld [tilespmem:$0x1E0];
	v39 =	vadd.s32 $0x401, v30;
	[tilespmem:$0x180] =	vst v37  }
0xe6: {  	v42 =	vld [tilespmem:$0x1F0];
	v41 =	vadd.s32 $0x401, v32;
	[tilespmem:$0x190] =	vst v39  }
0xe7: {  	v44 =	vld [tilespmem:$0x200];
	v43 =	vadd.s32 $0x401, v34;
	[tilespmem:$0x1A0] =	vst v41  }
0xe8: {  	v46 =	vld [tilespmem:$0x210];
	v45 =	vadd.s32 $0x401, v36;
	[tilespmem:$0x1B0] =	vst v43  }
0xe9: {  	v48 =	vld [tilespmem:$0x220];
	v47 =	vadd.s32 $0x401, v38;
	[tilespmem:$0x1C0] =	vst v45  }
0xea: {  	v50 =	vld [tilespmem:$0x230];
	v49 =	vadd.s32 $0x801, v40;
	[tilespmem:$0x1D0] =	vst v47  }
0xeb: {  	v52 =	vld [tilespmem:$0x240];
	v51 =	vadd.s32 $0x801, v42;
	[tilespmem:$0x1E0] =	vst v49  }
0xec: {  	v54 =	vld [tilespmem:$0x250];
	v53 =	vadd.s32 $0x801, v44;
	[tilespmem:$0x1F0] =	vst v51  }
0xed: {  	v56 =	vld [tilespmem:$0x260];
	v55 =	vadd.s32 $0x801, v46;
	[tilespmem:$0x200] =	vst v53  }
0xee: {  	v58 =	vld [tilespmem:$0x270];
	v57 =	vadd.s32 $0x801, v48;
	[tilespmem:$0x210] =	vst v55  }
0xef: {  	v59 =	vadd.s32 $0x801, v50;
	[tilespmem:$0x220] =	vst v57  }
0xf0: {  	v60 =	vadd.s32 $0x801, v52;
	[tilespmem:$0x230] =	vst v59  }
0xf1: {  	v61 =	vadd.s32 $0x801, v54;
	[tilespmem:$0x240] =	vst v60  }
0xf2: {  	v62 =	vadd.s32 $0x801, v56;
	[tilespmem:$0x250] =	vst v61  }
0xf3: {  	v63 =	vadd.s32 $0x801, v58;
	[tilespmem:$0x260] =	vst v62  }
0xf4: {  	s25 =	simm.s32 $0x280;
	[tilespmem:$0x270] =	vst v63  }
0xf5: {  	[tilespmem:s25], [sflag:$0x3] =	stream.indirect.gather [hbm4b:s9+s19], $0x40, s16, s19, $0xb8;
	[tilespmem:$0x14500] =	vst v63  }
.LBB2_6:
0xf6: {  	_ =	swait.ge [sflag:s0], $0x7800  }
0xf7: {  	[sflag:s0] =	ssyncset.done $0x0  }
0xf8: {  	[sflag:s0] =	ssyncadd.s32 $0xFFFF8800  }
0xf9: {  	_ =	swait.ge [sflag:s2], $0x2800  }
0xfa: {  	[sflag:s2] =	ssyncset.done $0x0  }
0xfb: {  	s18 =	simm.s32 $0x0;
	[sflag:s2] =	ssyncadd.s32 $0xFFFFD800  }
0xfc: {  	v2 =	vld [tilespmem:s18+$0xF500]  }
0xfd: {  	v0 =	vld [tilespmem:s18+$0xF510]  }
0xfe: {  	v3 =	vld [tilespmem:s18+$0xCD00]  }
0xff: {  	v1 =	vld [tilespmem:s18+$0xCD10]  }
0x100: {  	v6 =	vld [tilespmem:s18+$0xA500]  }
0x101: {  	v7 =	vld [tilespmem:s18+$0xA510]  }
0x102: {  	v5 =	vld [tilespmem:s18+$0xA520]  }
0x103: {  	v4 =	vld [tilespmem:s18+$0xA530]  }
0x104: {  	v10 =	vld [tilespmem:s18+$0x11D00]  }
0x105: {  	v9 =	vld [tilespmem:s18+$0x11D10]  }
0x106: {  	s13 =	simm.s32 $0x100;
	v8 =	vld [tilespmem:s18+$0x11D20]  }
.LBB2_7:
0x107: {  	p0 =	sne.s32 s13, $0x9F00;
	v11 =	vld [tilespmem:s18+$0x11D30]  }
0x108: {  	v12 =	vld [tilespmem:s18+$0xCD20]  }
0x109: {  	v6 =	vadd.f32 v6, v10;
	v10 =	vld [tilespmem:s18+$0xCD30]  }
0x10a: {  	v7 =	vadd.f32 v7, v9;
	v9 =	vld [tilespmem:s18+$0xF520]  }
0x10b: {  	s21 =	sshra.s32 s13, $0x2;
	v3 =	vadd.f32 v3, v6;
	v5 =	vadd.f32 v5, v8;
	v8 =	vld [tilespmem:s18+$0xF530]  }
0x10c: {  	v13 =	vld [tilespmem:s21+$0xF500];
	v1 =	vadd.f32 v1, v7;
	v4 =	vadd.f32 v4, v11  }
0x10d: {  	v11 =	vld [tilespmem:s21+$0xF510];
	v2 =	vadd.f32 v2, v3;
	v5 =	vadd.f32 v12, v5  }
0x10e: {  	v3 =	vld [tilespmem:s21+$0xCD00];
	v0 =	vadd.f32 v0, v1;
	v4 =	vadd.f32 v10, v4  }
0x10f: {  	v1 =	vld [tilespmem:s21+$0xCD10];
	[tilespmem:s18+$0x11D00] =	vst v2;
	v5 =	vadd.f32 v9, v5  }
0x110: {  	v6 =	vld [tilespmem:s21+$0xA500];
	[tilespmem:s18+$0x11D10] =	vst v0;
	v4 =	vadd.f32 v8, v4  }
0x111: {  	v7 =	vld [tilespmem:s21+$0xA510];
	[tilespmem:s18+$0x11D20] =	vst v5;
	v2 =	vmov v13  }
.Ltmp2:
0x112: {  	v5 =	vld [tilespmem:s21+$0xA520];
	[tilespmem:s18+$0x11D30] =	vst v4;
	v0 =	vmov v11;
	s18 =	smov.u32 s21;
	(pc) =	sbr.rel @p0 .LBB2_7-.Ltmp2, $4  }
0x113: {  	v4 =	vld [tilespmem:s18+$0xA530]  }
0x114: {  	v10 =	vld [tilespmem:s18+$0x11D00]  }
0x115: {  	v9 =	vld [tilespmem:s18+$0x11D10]  }
0x116: {  	s13 =	sadd.s32 $0x100, s13;
	v8 =	vld [tilespmem:s18+$0x11D20]  }
0x117: {  	v11 =	vld [tilespmem:s18+$0x11D30]  }
0x118: {  	v12 =	vld [tilespmem:s18+$0xCD20]  }
0x119: {  	v57 =	vld [tilespmem:s18+$0xCD30];
	v6 =	vadd.f32 v6, v10  }
0x11a: {  	v58 =	vld [tilespmem:s18+$0xF520];
	v7 =	vadd.f32 v7, v9  }
0x11b: {  	v59 =	vld [tilespmem:s18+$0xF530];
	v3 =	vadd.f32 v3, v6;
	v5 =	vadd.f32 v5, v8  }
0x11c: {  	v1 =	vadd.f32 v1, v7;
	v4 =	vadd.f32 v4, v11  }
0x11d: {  	v2 =	vadd.f32 v2, v3;
	v60 =	vadd.f32 v12, v5  }
0x11e: {  	v0 =	vadd.f32 v0, v1;
	v61 =	vadd.f32 v57, v4  }
0x11f: {  	[tilespmem:s18+$0x11D00] =	vst v2;
	v62 =	vadd.f32 v58, v60  }
0x120: {  	s11 =	sshll.u32 s11, $0x3;
	s14 =	sadd.s32 $0x1, s14;
	[tilespmem:s18+$0x11D10] =	vst v0;
	v63 =	vadd.f32 v59, v61  }
0x121: {  	s11 =	sand.u32 $0x1FFFFF00, s11;
	p0 =	sne.s32 s14, $0x50;
	[tilespmem:s18+$0x11D20] =	vst v62  }
.Ltmp3:
0x122: {  	s11 =	sadd.s32 s3, s11;
	[tilespmem:s18+$0x11D30] =	vst v63;
	(pc) =	sbr.rel @p0 .LBB2_2-.Ltmp3, $4  }
0x123: {  	[hbm4b:s11+s4] =	stream.linear.scatter [tilespmem:s23], [sflag:$0x7], $0x2800, $0x38;
	[tilespmem:$0x14500] =	vst v63  }
0x124: {  	_ =	swait.ge [sflag:s15], $0x2800  }
0x125: {  	[sflag:s15] =	ssyncset.done $0x0  }
0x126: {  	[sflag:s15] =	ssyncadd.s32 $0xFFFFD800  }
0x127: {  	s13 =	rddreg [dreg:$0x6]  }
0x128: {  	s11 =	rddreg [dreg:$0x5];
	s13 =	sadd.s32 $0x1, s13  }
0x129: {  	p0 =	sne.s32 s13, s11  }
.Ltmp4:
0x12a: {  	_ = 	snop;
	(pc) =	sbr.rel @p0 .LBB2_1-.Ltmp4, $1  }
0x12b: {  	_ =	sdelay $0x3  }
0x12c: {  	_ =	sfence.sel $0x180000  }
0x12d: {  	[bflag:$0x0] =	sbarrier.arrive $0xFFFF  }
0x12e: {  	_ =	strace $0x90000047  }
0x12f: {  	s0 =	stileid.u32;
	[bflag:$0x2] =	sbarrier.arrive $0xFFFF  }
0x130: {  	p0 =	sne.s32 s0, $0x0;
	s0 =	rddreg [dreg:$0x2]  }
0x131: {  	s0 =	sadd.s32 @!p0 $0x100000, s0  }
0x132: {  	[sflag:s0] =	ssyncadd.tile.s32 @!p0 $0x1;
	_ =	shalt  }
.Lfunc_end2:
_tile_overlayer_lowered:
.L_overlay_start_2:
0x133: {  	(tag) =	ssettag $0x2  }
0x134: {  	s0 =	rddreg [dreg:$0x0];
	s2 =	stileid.u32  }
0x135: {  	s1 =	rddreg [dreg:$0x1];
	p0 =	sne.s32 s2, $0x0  }
0x136: {  	s3 =	rddreg [dreg:$0x2];
	[bflag:$0x3] =	sbarrier.arrive $0xFFFF;
	s2 =	simm.s32 @!p0 $0x1C07  }
0x137: {  	[timem:s3], [sflag:s2] =	dma.local @!p0 [hbm:s0], s1  }
0x138: {  	s0 =	simm.s32 @!p0 $0x7  }
0x139: {  	_ =	swait.ge @!p0 [sflag:s0], s1  }
0x13a: {  	s1 =	ssub.s32 @!p0 $0x0, s1;
	[sflag:s0] =	ssyncset.done @!p0 $0x0  }
0x13b: {  	[sflag:s0] =	ssyncadd.s32 @!p0 s1  }
0x13c: {  	[bflag:$0x3] =	sbarrier.arrive $0xFFFF  }
0x13d: {  	_ =	shalt  }

// kernel: sparse-core-data-format-call.cloned.1.call-start
scs
called_computation_lowered:
.L_overlay_start_0:
0x0: {  	s2 =	sld [smem:$0x3FD9]  }
0x1: {  	s3 =	sld [smem:$0x3FFE];
	_ =	sdelay $0x1  }
0x2: {  	s1 =	srdreg.scid  }
0x3: {  	s0 =	sand.u32 $0x1, s1  }
0x4: {  	s18 =	sshll.u32 s0, $0xA;
	s2 =	sadd.s32 s3, s2  }
0x5: {  	s2 =	sadd.s32 s2, s18  }
0x6: {  	[smem:$0x3FC4] =	sst s2  }
0x7: {  	_ = 	snop  }
0x8: {  	s2 =	sld [smem:$0x3FD0];
	(tm) =	ssettm $0x1  }
0x9: {  	s19 =	sld [smem:$0x3FFB];
	_ =	sdelay $0x3  }
0xa: {  	_ =	strace s19  }
0xb: {  	s3 =	sld [smem:$0x3FFC];
	_ =	sdelay $0x3  }
0xc: {  	_ =	strace s3  }
0xd: {  	s3 =	sld [smem:$0x3FFD];
	_ =	sdelay $0x3  }
0xe: {  	_ =	strace s3  }
0xf: {  	_ =	strace $0x8FFFFFFF  }
0x10: {  	s20 =	sld [smem:$0x3FDB];
	_ =	sdelay $0x1  }
0x11: {  	s4 =	simm.s32 $_scs_section_size  }
0x12: {  	s5 =	simm.s32 $_size__tile_overlayer_lowered;
	s6 =	simm.s32 $_tile_overlayer_lowered  }
0x13: {  	s23 =	simm.s32 $0x1BFF;
	s22 =	sshll.u32 s6, $0x1;
	s3 =	sadd.s32 s4, s20  }
0x14: {  	s7 =	simm.s32 $0x0;
	s21 =	sshll.u32 s5, $0x1;
	s5 =	sadd.s32 s22, s3  }
0x15: {  	[timem:s7], [sflag:s23] =	dma.local [hbm:s5], s21  }
0x16: {  	_ =	swait.ge [sflag:s23], s21  }
0x17: {  	s4 =	ssub.s32 $0x0, s21;
	[sflag:s23] =	ssyncset.done $0x0  }
0x18: {  	[sflag:s23] =	ssyncadd.s32 s4;
	_ =	sdelay $0x1  }
0x19: {  	s24 =	simm.s32 $0x1B8B  }
0x1a: {  	_ =	swait.ge [sflag:s24], $0x1  }
0x1b: {  	[sflag:s24] =	ssyncset.done $0x0  }
0x1c: {  	s26 =	simm.s32 $0x1B8E;
	s25 =	sld [smem:$0x3FFE];
	[sflag:s24] =	ssyncadd.s32 $0xFFFFFFFF  }
0x1d: {  	s27 =	simm.s32 $execute0_lowered;
	[smem:$0x3FD2] =	sst s26  }
0x1e: {  	s5 =	sshll.u32 s27, $0x1;
	_ =	strace $0x80000049;
	[dreg:$0x1] =	wrdreg $0xFFFFFFFF  }
0x1f: {  	s28 =	simm.s32 $_size_execute0_lowered;
	s3 =	sadd.s32 s3, s5;
	[dreg:$0x0] =	wrdreg $0x0  }
0x20: {  	s5 =	sshll.u32 s28, $0x1;
	[dreg:$0x2] =	wrdreg s3  }
0x21: {  	[dreg:$0x3] =	wrdreg s5  }
0x22: {  	[dreg:$0x4] =	wrdreg $0xC0  }
0x23: {  	_ =	task [dreg:s7], $0x5FFFF  }
0x24: {  	[dreg:$0x1] =	wrdreg $0xFFFFFFFF  }
0x25: {  	[dreg:$0x0] =	wrdreg $0x60  }
0x26: {  	[dreg:$0x2] =	wrdreg s25  }
0x27: {  	[dreg:$0x3] =	wrdreg s2  }
0x28: {  	[dreg:$0x4] =	wrdreg $0x9  }
0x29: {  	_ =	task.clear_ibuf [dreg:s7], $0x5FFFF;
	_ =	strace $0x90000049  }
0x2a: {  	s29 =	simm.s32 $0x9;
	_ =	strace $0x8000004B  }
0x2b: {  	_ =	swait.ge [sflag:s29], $0x1  }
0x2c: {  	[sflag:s29] =	ssyncadd.s32 $0xFFFFFFFF  }
0x2d: {  	_ =	strace $0x9000004B  }
0x2e: {  	_ =	sfence  }
0x2f: {  	s30 =	sld [smem:$0x0];
	_ =	sdelay $0x2  }
0x30: {  	s31 =	sshll.u32 s1, $0xD;
	s1 =	sshrl.u32 s1, $0x2  }
0x31: {  	s3 =	sand.u32 $0x4000, s31;
	s1 =	sadd.s32 s1, s30  }
0x32: {  	s0 =	sor.u32 s3, s0;
	s1 =	sshll.u32 s1, $0x11  }
0x33: {  	s0 =	sor.u32 s1, s0  }
0x34: {  	s0 =	sadd.s32 $0x8F2B, s0  }
0x35: {  	[sflag:s0] =	ssyncadd.remote.s32 $0x1  }
0x36: {  	_ =	sfence.sel $0xFFFF  }
0x37: {  	[dreg:$0x0] =	wrdreg $0xFFFFFFFF;
	(pc) =	sbr.abs _section_cstart, $3  }
0x38: {  	[dreg:$0x1] =	wrdreg $0xFFFFFFFF  }
0x39: {  	_ =	task.clear_ibuf [dreg:s7], $0x2FFFF;
	_ =	strace $0x9FFFFFFF  }
0x3a: {  	(tm) =	ssettm $0x7FFFFFFF  }
0x3b: {  	_ =	shalt  }
tec
execute0_lowered:
.L_overlay_start_1:
0x0: {  	(tag) =	ssettag $0x1  }
0x1: {  	s0 =	srdreg.scid  }
0x2: {  	s1 =	sshll.u32 s0, $0x4  }
0x3: {  	s0 =	stileid.u32;
	s1 =	sand.u32 $0x10, s1  }
0x4: {  	s1 =	sor.u32 s0, s1  }
0x5: {  	s3 =	rddreg [dreg:$0x0];
	s2 =	sshll.u32 s1, $0x7  }
0x6: {  	s5 =	simm.s32 $0x1;
	s7 =	simm.s32 $0x2;
	s1 =	ssub.s32 $0x1000, s2  }
0x7: {  	s12 =	simm.s32 $0x0;
	s8 =	simm.s32 $0x8000;
	s4 =	sand.u32 $0xF80, s1  }
0x8: {  	s13 =	simm.s32 $0x0;
	s6 =	sshrl.u32 s1, $0xC;
	p0 =	sne.s32 s4, $0x0  }
.Ltmp0:
0x9: {  	s1 =	rddreg [dreg:$0x2];
	s5 =	simm.s32 @!p0 $0x0;
	(pc) =	sbr.rel .LBB1_1-.Ltmp0, $4  }
0xa: {  	s9 =	simm.s32 $0x0;
	s4 =	rddreg [dreg:$0x1];
	s6 =	sadd.s32 s5, s6  }
0xb: {  	_ =	strace $0x8000004A;
	s5 =	simm.s32 $0x1;
	s6 =	smul.u32 $0xC8, s6  }
0xc: {  	s11 =	simm.s32 $0x0;
	s10 =	smov.u32 s2;
	[sflag:s5] =	ssyncpa.u1 $0x0  }
0xd: {  	p0 =	por $0x0, $0x0;
	[sflag:s7] =	ssyncpa.u1 $0x0;
	s7 =	sor.u32 $0x1, s6  }
.LBB1_4:
0xe: {  	s16 =	sshll.u32 s13, $0x3;
	s17 =	sand.u32 $0x78, s13  }
0xf: {  	s30 =	sand.u32 $0x7E00, s13;
	s12 =	sshll.u32 s12, $0xF;
	s16 =	sand.u32 $0xC00, s16  }
0x10: {  	[tilespmem:s15+$0x810 ss:$0x81] =	vst.msk $0xffff, v2;
	s31 =	sand.u32 $0x7, s13;
	s16 =	sor.u32 s17, s16;
	s17 =	sadd.s32 s4, s30  }
0x11: {  	[tilespmem:s15+$0x1020 ss:$0x81] =	vst.msk $0xffff, v0;
	s13 =	sshll.u32 s31, $0x12;
	s12 =	sadd.s32 s12, s17;
	s16 =	sshrl.u32 s16, $0x3  }
0x12: {  	[tilespmem:s15+$0x0 ss:$0x81] =	vst.msk $0xffff, v1;
	s13 =	sor.u32 $0x400, s13;
	s12 =	sadd.s32 s16, s12  }
0x13: {  	[hbm4b:s12+s13] =	stream.strided.scatter [tilespmem:s14], [sflag:$0x2], $0x2000, s8, s13, $0x20;
	[tilespmem:$0x8080] =	vst v63  }
.LBB1_5:
0x14: {  	s14 =	sadd.s32 $0x1, s9  }
0x15: {  	s12 =	sadd.s32 $0x1000, s10;
	s16 =	smov.u32 s10;
	p2 =	sgt.s32 s14, $0xC7  }
0x16: {  	s16 =	smov.u32 @p2 s12  }
0x17: {  	s14 =	simm.s32 @p2 $0x0;
	p2 =	sgt.s32 s16, $0xFFF  }
0x18: {  	s16 =	smov.u32 @p2 s2;
	p2 =	sne.s32 s11, s7  }
.Ltmp1:
0x19: {  	p1 =	slt.u32 s11, $0x2;
	(pc) =	sbr.rel @!p2 .LBB1_6-.Ltmp1, $4  }
0x1a: {  	s15 =	simm.s32 @!p1 $0x2  }
0x1b: {  	s13 =	smov.u32 s10;
	p0 =	por !p0, !p0;
	_ =	swait.ge @!p1 [sflag:s15], $0x2000  }
0x1c: {  	s12 =	smov.u32 s9;
	[sflag:s15] =	ssyncset.done @!p1 $0x0;
	s9 =	smov.u32 s14  }
0x1d: {  	s11 =	sadd.s32 $0x1, s11;
	[sflag:s15] =	ssyncadd.s32 @!p1 $0xFFFFE000;
	s10 =	smov.u32 s16  }
.LBB1_1:
0x1e: {  	p1 =	sge.u32 s11, s6  }
0x1f: {  	s14 =	sand.u32 @!p1 $0x1FFFFFF, s9  }
0x20: {  	s15 =	smulhi.u32 @!p1 $0x147AE15, s14;
	_ =	sdelay $0x1  }
0x21: {  	s15 =	smul.u32 @!p1 $0xC8, s15  }
0x22: {  	s16 =	sxor.u32 @!p1 $0xFFFFFFFF, s11;
	s17 =	smul.u32 @!p1 $0xC80, s10  }
0x23: {  	s31 =	sadd.s32 $0xFFFFFFFF, s11;
	s16 =	sshll.u32 @!p1 s16, $0xD;
	s14 =	ssub.s32 @!p1 s14, s15  }
0x24: {  	s15 =	sand.u32 @!p1 $0x2000, s16;
	s16 =	sadd.s32 @!p1 s3, s17;
	s14 =	sshll.u32 @!p1 s14, $0x4  }
0x25: {  	s17 =	simm.s32 @!p1 $0x6400;
	s14 =	sadd.s32 @!p1 s14, s16;
	s16 =	simm.s32 @!p1 $0x40  }
0x26: {  	[tilespmem:s15], [sflag:$0x1] =	stream.strided.gather @!p1 [hbm4b:s14+s16], $0x2000, s17, s16, $0x38;
	[tilespmem:$0x8080] =	vst v63  }
0x27: {  	p1 =	sge.u32 s31, s6  }
.Ltmp2:
0x28: {  	_ = 	snop;
	(pc) =	sbr.rel @p1 .LBB1_5-.Ltmp2, $1  }
0x29: {  	_ =	sdelay $0x3  }
0x2a: {  	s14 =	simm.s32 $0x1  }
0x2b: {  	_ =	swait.ge [sflag:s5], $0x2000;
	s14 =	simm.s32 @!p0 $0x0  }
0x2c: {  	[sflag:s5] =	ssyncset.done $0x0;
	s15 =	sshll.u32 s14, $0xD  }
0x2d: {  	[sflag:s5] =	ssyncadd.s32 $0xFFFFE000;
	s18 =	sor.u32 $0x20, s15  }
0x2e: {  	s14 =	smul.u32 $0x8100, s14;
	v3 =	vld [tilespmem:s18+$0x10]  }
0x2f: {  	s30 =	sand.u32 $0x1, s11;
	v2 =	vld [tilespmem:s18+$0xFFFFFFF0]  }
0x30: {  	s15 =	smul.u32 $0x8100, s30;
	s14 =	sshrl.u32 s14, $0x2;
	v0 =	vld [tilespmem:s18+$0x0]  }
0x31: {  	v1 =	vld [tilespmem:s18+$0xFFFFFFE0];
	s16 =	sor.u32 $0x4000, s14  }
0x32: {  	s31 =	sshrl.u32 s15, $0x2;
	s15 =	sadd.s32 $0x0, s16  }
0x33: {  	s17 =	simm.s32 $0x4;
	s18 =	sadd.s32 $0x40, s18;
	s14 =	sor.u32 $0x4000, s31;
	[tilespmem:s15+$0x1830 ss:$0x81] =	vst.msk $0xffff, v3  }
.LBB1_3:
0x34: {  	v3 =	vld [tilespmem:s18+$0x10];
	p1 =	sne.s32 s17, $0x1FC;
	[tilespmem:s15+$0x810 ss:$0x81] =	vst.msk $0xffff, v2;
	s19 =	smov.u32 s17;
	s17 =	sadd.s32 $0x4, s17  }
.Ltmp3:
0x35: {  	v2 =	vld [tilespmem:s18+$0xFFFFFFF0];
	[tilespmem:s15+$0x1020 ss:$0x81] =	vst.msk $0xffff, v0;
	(pc) =	sbr.rel @p1 .LBB1_3-.Ltmp3, $4  }
0x36: {  	v0 =	vld [tilespmem:s18+$0x0];
	[tilespmem:s15+$0x0 ss:$0x81] =	vst.msk $0xffff, v1  }
0x37: {  	s15 =	sshra.s32 s19, $0x2;
	v1 =	vld [tilespmem:s18+$0xFFFFFFE0]  }
0x38: {  	s15 =	sadd.s32 s15, s16  }
0x39: {  	s18 =	sadd.s32 $0x40, s18;
	[tilespmem:s15+$0x1830 ss:$0x81] =	vst.msk $0xffff, v3  }
.Ltmp4:
0x3a: {  	_ = 	snop;
	(pc) =	sbr.rel .LBB1_4-.Ltmp4, $1  }
0x3b: {  	_ =	sdelay $0x3  }
.LBB1_6:
0x3c: {  	_ =	sfence.sel $0x180000  }
0x3d: {  	s2 =	simm.s32 $0x1;
	[bflag:$0x0] =	sbarrier.arrive $0xFFFF  }
0x3e: {  	s31 =	simm.s32 $0x2;
	[sflag:s2] =	ssyncpa.u1 $0x1  }
0x3f: {  	[sflag:s31] =	ssyncpa.u1 $0x1  }
0x40: {  	p0 =	sne.s32 s0, $0x0;
	_ =	strace $0x9000004A  }
0x41: {  	s0 =	sadd.s32 @!p0 $0x100000, s1;
	[bflag:$0x2] =	sbarrier.arrive $0xFFFF  }
0x42: {  	[sflag:s0] =	ssyncadd.tile.s32 @!p0 $0x1;
	_ =	shalt  }
.Lfunc_end1:
_tile_overlayer_lowered:
.L_overlay_start_2:
0x43: {  	(tag) =	ssettag $0x2  }
0x44: {  	s0 =	rddreg [dreg:$0x0];
	s2 =	stileid.u32  }
0x45: {  	s1 =	rddreg [dreg:$0x1];
	p0 =	sne.s32 s2, $0x0  }
0x46: {  	s3 =	rddreg [dreg:$0x2];
	[bflag:$0x3] =	sbarrier.arrive $0xFFFF;
	s2 =	simm.s32 @!p0 $0x1C01  }
0x47: {  	[timem:s3], [sflag:s2] =	dma.local @!p0 [hbm:s0], s1  }
0x48: {  	s0 =	simm.s32 @!p0 $0x1  }
0x49: {  	_ =	swait.ge @!p0 [sflag:s0], s1  }
0x4a: {  	s1 =	ssub.s32 @!p0 $0x0, s1;
	[sflag:s0] =	ssyncset.done @!p0 $0x0  }
0x4b: {  	[sflag:s0] =	ssyncadd.s32 @!p0 s1  }
0x4c: {  	[bflag:$0x3] =	sbarrier.arrive $0xFFFF  }
0x4d: {  	_ =	shalt  }

</sc_bundles>
